<compile_context>
chip_gen: v7x
topology: tpu7x:2x2x1
jax: 0.10.2.dev20260603
libtpu: 0.0.44.dev20260713+nightly
codegen_flags: <defaults>
</compile_context>

<pallas_src>
import functools

import jax
import jax.numpy as jnp
from jax import lax
from jax.experimental import pallas as pl
from jax.experimental.pallas import tpu as pltpu
from jax.experimental.pallas import tpu_sc as plsc

NC = 2
NS = 16
NW = NC * NS
L = 16


def _sc_fact_bank(batch, dim, num_facts, chunk, rg, total_batch=None, row_base=0,
                  nbuf=2):
    if total_batch is None:
        total_batch = batch
    rows_per_w = batch // NW
    n_chunks = num_facts // chunk
    n_vec = chunk // L
    n_groups = max(rows_per_w // rg, 1)
    rg = min(rg, rows_per_w)
    mesh = plsc.VectorSubcoreMesh(core_axis_name="c", subcore_axis_name="s")

    @functools.partial(
        pl.kernel,
        mesh=mesh,
        out_type=jax.ShapeDtypeStruct((total_batch, num_facts), jnp.float32),
        compiler_params=pltpu.CompilerParams(needs_layout_passes=False),
        scratch_types=[
            pltpu.VMEM((rows_per_w * dim,), jnp.float32),
            pltpu.VMEM((chunk,), jnp.int32),
            pltpu.VMEM((chunk,), jnp.int32),
            pltpu.VMEM((chunk,), jnp.float32),
            pltpu.VMEM((chunk,), jnp.float32),
            pltpu.VMEM((rg, chunk), jnp.float32),
            pltpu.VMEM((rg, chunk) if nbuf > 1 else (1, 128),
                       jnp.float32),
            pltpu.SemaphoreType.DMA,
            pltpu.SemaphoreType.DMA,
        ],
    )
    def k(x_hbm, th_hbm, lk_hbm, ii_hbm, jj_hbm, out_hbm,
          xflat, iv, jv, nkv, av, ob0, ob1, sem0, sem1):
        wid = lax.axis_index("s") * NC + lax.axis_index("c")
        base = row_base + wid * rows_per_w
        pltpu.sync_copy(x_hbm.at[pl.ds(base * dim, rows_per_w * dim)], xflat)

        def drain(ob, sem):
            pltpu.make_async_copy(
                ob, out_hbm.at[pl.ds(0, rg), pl.ds(0, chunk)], sem).wait()

        def compute_group(ob, row0):
            @plsc.parallel_loop(0, n_vec)
            def vec_body(v):
                s = pl.ds(v * L, L)
                nk = nkv[s]
                a = av[s]
                fi = iv[s] + (row0 * dim)
                fj = jv[s] + (row0 * dim)
                for q in range(rg):
                    xi = plsc.load_gather(xflat, [fi])
                    xj = plsc.load_gather(xflat, [fj])
                    e = jnp.exp(nk * (xi - xj) + a)
                    ob[q, pl.ds(v * L, L)] = 1.0 / (1.0 + e)
                    if q != rg - 1:
                        fi = fi + dim
                        fj = fj + dim

        def fire(ob, sem, row0, off):
            pltpu.async_copy(
                ob,
                out_hbm.at[pl.ds(base + row0, rg), pl.ds(off, chunk)], sem)

        def chunk_body(c, _):
            off = pl.multiple_of(c * chunk, 256)
            pltpu.sync_copy(ii_hbm.at[pl.ds(off, chunk)], iv)
            pltpu.sync_copy(jj_hbm.at[pl.ds(off, chunk)], jv)
            pltpu.sync_copy(th_hbm.at[pl.ds(off, chunk)], nkv)
            pltpu.sync_copy(lk_hbm.at[pl.ds(off, chunk)], av)

            @plsc.parallel_loop(0, n_vec)
            def pre(v):
                s = pl.ds(v * L, L)
                kap = jnp.clip(jnp.exp(av[s]), 0.5, 50.0)
                av[s] = kap * nkv[s]
                nkv[s] = -kap

            for g in range(n_groups):
                ob, sem = (ob0, sem0) if (nbuf > 1 and g % 2 == 1) else (ob0, sem0)
                if nbuf > 1:
                    ob, sem = (ob0, sem0) if g % 2 == 0 else (ob1, sem1)
                    if g >= 2:
                        drain(ob, sem)
                    else:
                        @pl.when(c > 0)
                        def _d(ob=ob, sem=sem):
                            drain(ob, sem)
                    compute_group(ob, g * rg)
                    fire(ob, sem, g * rg, off)
                else:
                    compute_group(ob0, g * rg)
                    fire(ob0, sem0, g * rg, off)
                    drain(ob0, sem0)
            return _

        lax.fori_loop(0, n_chunks, chunk_body, None)
        if nbuf > 1:
            drain(ob0, sem0)
            if n_groups > 1:
                drain(ob1, sem1)

    return k


def _sc_part(x, th, log_kappa, i_idx, j_idx, sc_rows=None, row_base=0):
    batch, dim = x.shape
    num_facts = i_idx.shape[0]
    if sc_rows is None:
        sc_rows = batch
    rows_per_w = sc_rows // NW
    rg = min(16, rows_per_w)
    budget = 460 * 1024 - rows_per_w * dim * 4
    chunk, nbuf = 2176, 2
    for cand in (6528, 10880):
        if num_facts % cand == 0 and (16 + 8 * rg) * cand <= budget:
            chunk, nbuf = cand, 2
    if chunk == 2176:
        for cand in (6528, 10880):
            if num_facts % cand == 0 and (16 + 4 * rg) * cand <= budget:
                chunk, nbuf = cand, 1
    k = _sc_fact_bank(sc_rows, dim, num_facts, chunk, rg=rg,
                      total_batch=batch, row_base=row_base, nbuf=nbuf)
    return k(x.reshape(-1), th, log_kappa, i_idx, j_idx)


def _tc_kernel_body(ii_ref, jj_ref, th_ref, lk_ref, x_ref, o_ref):
    fb = ii_ref.shape[-1]
    dim = x_ref.shape[-1]
    ii = ii_ref[0]
    jj = jj_ref[0]
    row = lax.broadcasted_iota(jnp.int32, (dim, fb), 0)
    sel = jnp.where(row == ii, 1.0, 0.0) - jnp.where(row == jj, 1.0, 0.0)
    z = jnp.dot(x_ref[...], sel, preferred_element_type=jnp.float32)
    kap = jnp.clip(jnp.exp(lk_ref[0]), 0.5, 50.0)
    o_ref[...] = jax.nn.sigmoid(kap * (z - th_ref[0]))


def _tc_part(x, th, log_kappa, i_idx, j_idx, fb=2176):
    batch, dim = x.shape
    num_facts = i_idx.shape[0]
    nb = num_facts // fb
    ii3 = i_idx.reshape(nb, 1, fb)
    jj3 = j_idx.reshape(nb, 1, fb)
    th3 = th.reshape(nb, 1, fb)
    lk3 = log_kappa.reshape(nb, 1, fb)
    spec1 = pl.BlockSpec((1, 1, fb), lambda f: (f, 0, 0))
    return pl.pallas_call(
        _tc_kernel_body,
        grid=(nb,),
        in_specs=[spec1, spec1, spec1, spec1,
                  pl.BlockSpec((batch, dim), lambda f: (0, 0))],
        out_specs=pl.BlockSpec((batch, fb), lambda f: (0, f)),
        out_shape=jax.ShapeDtypeStruct((batch, num_facts), jnp.float32),
    )(ii3, jj3, th3, lk3, x)


def _tc_alias_body(ii_ref, jj_ref, th_ref, lk_ref, x_ref, sc_ref, o_ref):
    del sc_ref
    _tc_kernel_body(ii_ref, jj_ref, th_ref, lk_ref, x_ref, o_ref)


def _tc_fill(x, th, log_kappa, i_idx, j_idx, sc_full, tc_rows, rb, fb=2176):
    batch, dim = x.shape
    num_facts = i_idx.shape[0]
    nb = num_facts // fb
    nrb = tc_rows // rb
    ii3 = i_idx.reshape(nb, 1, fb)
    jj3 = j_idx.reshape(nb, 1, fb)
    th3 = th.reshape(nb, 1, fb)
    lk3 = log_kappa.reshape(nb, 1, fb)
    spec1 = pl.BlockSpec((1, 1, fb), lambda b, f: (f, 0, 0))
    return pl.pallas_call(
        _tc_alias_body,
        grid=(nrb, nb),
        in_specs=[spec1, spec1, spec1, spec1,
                  pl.BlockSpec((rb, dim), lambda b, f: (b, 0)),
                  pl.BlockSpec(memory_space=pl.ANY)],
        out_specs=pl.BlockSpec((rb, fb), lambda b, f: (b, f)),
        out_shape=jax.ShapeDtypeStruct((batch, num_facts), jnp.float32),
        input_output_aliases={5: 0},
    )(ii3, jj3, th3, lk3, x, sc_full)


SC_ROWS = 256


def kernel(x, th, log_kappa, i_idx, j_idx):
    batch = x.shape[0]
    sc_rows = SC_ROWS
    if sc_rows == 0:
        return _tc_part(x, th, log_kappa, i_idx, j_idx)
    if sc_rows >= batch:
        return _sc_part(x, th, log_kappa, i_idx, j_idx)
    tc_rows = batch - sc_rows
    sc_full = _sc_part(x, th, log_kappa, i_idx, j_idx,
                       sc_rows=sc_rows, row_base=tc_rows)
    return _tc_fill(x, th, log_kappa, i_idx, j_idx, sc_full,
                    tc_rows, rb=768)

# --- scband reference (transcript-rebuilt; emitter-appended) ---
"""Pipeline reference for scband-relational-fact-bank-87531433492861 (READ-ONLY COPY).

The authoritative reference and input builder live on the scoring server;
editing this copy changes nothing except your own understanding.
"""

import jax, jax.numpy as jnp
import numpy as np
import math

INPUT_DIM = 256
BATCH = 1024
INIT_KAPPA = 2.0


def _build_pairs(d):
    pairs = [(i, j) for i in range(d) for j in range(i + 1, d)]
    i_idx = jnp.asarray(np.array([p[0] for p in pairs], dtype=np.int32))
    j_idx = jnp.asarray(np.array([p[1] for p in pairs], dtype=np.int32))
    return i_idx, j_idx


def setup_inputs(seed: int = 0) -> dict:
    key = jax.random.key(seed)
    kx, = jax.random.split(key, 1)
    i_idx, j_idx = _build_pairs(INPUT_DIM)
    num_facts = i_idx.shape[0]
    x = jax.random.normal(kx, (BATCH, INPUT_DIM), dtype=jnp.float32)
    th = jnp.zeros((num_facts,), dtype=jnp.float32)
    log_kappa = jnp.full((num_facts,), float(math.log(INIT_KAPPA)), dtype=jnp.float32)
    return {"x": x, "th": th, "log_kappa": log_kappa, "i_idx": i_idx, "j_idx": j_idx}


def reference(x, th, log_kappa, i_idx, j_idx):
    xi = jnp.take(x, i_idx, axis=1)
    xj = jnp.take(x, j_idx, axis=1)
    kappa = jnp.clip(jnp.exp(log_kappa), 0.5, 50.0)
    return jax.nn.sigmoid(kappa * (xi - xj - th))

if __name__ == "__main__":
    import jax
    _d = setup_inputs()
    print(jax.jit(kernel)(*tuple(_d.values())))

</pallas_src>

<mosaic_0001>
#map = affine_map<(d0, d1) -> (0)>
#map1 = affine_map<(d0, d1) -> (0, 0)>
module attributes {stable_mosaic.version = 14 : i64} {
  func.func @k(%arg0: i32, %arg1: i32, %arg2: memref<262144xf32, #tpu.memory_space<hbm>>, %arg3: memref<32640xf32, #tpu.memory_space<hbm>>, %arg4: memref<32640xf32, #tpu.memory_space<hbm>>, %arg5: memref<32640xi32, #tpu.memory_space<hbm>>, %arg6: memref<32640xi32, #tpu.memory_space<hbm>>, %arg7: memref<1024x32640xf32, #tpu.memory_space<hbm>>, %arg8: memref<2048xf32, #tpu.memory_space<vmem>>, %arg9: memref<6528xi32, #tpu.memory_space<vmem>>, %arg10: memref<6528xi32, #tpu.memory_space<vmem>>, %arg11: memref<6528xf32, #tpu.memory_space<vmem>>, %arg12: memref<6528xf32, #tpu.memory_space<vmem>>, %arg13: memref<8x6528xf32, #tpu.memory_space<vmem>>, %arg14: memref<1x128xf32, #tpu.memory_space<vmem>>, %arg15: memref<!tpu.dma_semaphore, #tpu.memory_space<semaphore_mem>>, %arg16: memref<!tpu.dma_semaphore, #tpu.memory_space<semaphore_mem>>) attributes {dimension_semantics = [#tpu.dimension_semantics<core_parallel>, #tpu.dimension_semantics<subcore_parallel>], iteration_bounds = array<i64: 2, 16>, scalar_prefetch = 0 : i64, scratch_operands = 9 : i64, tpu.core_type = #tpu.core_type<sc_vector_subcore>, window_params = [{transform_indices = #map}, {transform_indices = #map}, {transform_indices = #map}, {transform_indices = #map}, {transform_indices = #map}, {transform_indices = #map1}]} {
    %mul3A = arith.constant 2 : i32
    %mul3A_0 = arith.muli %arg1, %mul3A : i32
    %add3A = arith.addi %mul3A_0, %arg0 : i32
    %mul3A_1 = arith.constant 8 : i32
    %mul3A_2 = arith.muli %add3A, %mul3A_1 : i32
    %add3A_3 = arith.constant 768 : i32
    %add3A_4 = arith.addi %add3A_3, %mul3A_2 : i32
    %mul3A_5 = arith.constant 256 : i32
    %mul3A_6 = arith.muli %add3A_4, %mul3A_5 : i32
    "tpu.region"() ({
      %run_scoped3A = tpu.sem_alloc : memref<!tpu.dma_semaphore, #tpu.memory_space<semaphore_mem>>
      %dma_start3A = tpu.memref_slice %arg2[%mul3A_6] : memref<262144xf32, #tpu.memory_space<hbm>> -> memref<2048xf32, #tpu.memory_space<hbm>>
      %dma_start3A_11 = tpu.memref_slice %arg2[%mul3A_6] : memref<262144xf32, #tpu.memory_space<hbm>> -> memref<2048xf32, #tpu.memory_space<hbm>>
      tpu.enqueue_dma source(%dma_start3A_11 : memref<2048xf32, #tpu.memory_space<hbm>>) target(%arg8 : memref<2048xf32, #tpu.memory_space<vmem>>) target_semaphore(%run_scoped3A : memref<!tpu.dma_semaphore, #tpu.memory_space<semaphore_mem>>)
      %dma_wait3A = tpu.memref_slice %arg2[%mul3A_6] : memref<262144xf32, #tpu.memory_space<hbm>> -> memref<2048xf32, #tpu.memory_space<hbm>>
      %dma_wait3A_12 = tpu.memref_slice %arg2[%mul3A_6] : memref<262144xf32, #tpu.memory_space<hbm>> -> memref<2048xf32, #tpu.memory_space<hbm>>
      tpu.wait_dma2 semaphore(%run_scoped3A : memref<!tpu.dma_semaphore, #tpu.memory_space<semaphore_mem>>) src(%dma_wait3A_12 : memref<2048xf32, #tpu.memory_space<hbm>>) dst(%arg8 : memref<2048xf32, #tpu.memory_space<vmem>>)
      tpu.yield
    }) : () -> ()
    %scan3A = arith.constant 0 : i32
    %scan3A_7 = arith.constant 5 : i32
    %scan3A_8 = arith.addi %scan3A, %scan3A_7 : i32
    %scan3A_9 = arith.constant 1 : i32
    scf.for %scan3A_11 = %scan3A to %scan3A_8 step %scan3A_9  : i32 {
      %mul3A_12 = arith.constant 6528 : i32
      %mul3A_13 = arith.muli %scan3A_11, %mul3A_12 : i32
      %multiple_of3A = tpu.assume_multiple %mul3A_13, 256 : i32
      "tpu.region"() ({
        %run_scoped3A = tpu.sem_alloc : memref<!tpu.dma_semaphore, #tpu.memory_space<semaphore_mem>>
        %dma_start3A_27 = tpu.memref_slice %arg5[%multiple_of3A] : memref<32640xi32, #tpu.memory_space<hbm>> -> memref<6528xi32, #tpu.memory_space<hbm>>
        %dma_start3A_28 = tpu.memref_slice %arg5[%multiple_of3A] : memref<32640xi32, #tpu.memory_space<hbm>> -> memref<6528xi32, #tpu.memory_space<hbm>>
        tpu.enqueue_dma source(%dma_start3A_28 : memref<6528xi32, #tpu.memory_space<hbm>>) target(%arg9 : memref<6528xi32, #tpu.memory_space<vmem>>) target_semaphore(%run_scoped3A : memref<!tpu.dma_semaphore, #tpu.memory_space<semaphore_mem>>)
        %dma_wait3A_29 = tpu.memref_slice %arg5[%multiple_of3A] : memref<32640xi32, #tpu.memory_space<hbm>> -> memref<6528xi32, #tpu.memory_space<hbm>>
        %dma_wait3A_30 = tpu.memref_slice %arg5[%multiple_of3A] : memref<32640xi32, #tpu.memory_space<hbm>> -> memref<6528xi32, #tpu.memory_space<hbm>>
        tpu.wait_dma2 semaphore(%run_scoped3A : memref<!tpu.dma_semaphore, #tpu.memory_space<semaphore_mem>>) src(%dma_wait3A_30 : memref<6528xi32, #tpu.memory_space<hbm>>) dst(%arg9 : memref<6528xi32, #tpu.memory_space<vmem>>)
        tpu.yield
      }) : () -> ()
      "tpu.region"() ({
        %run_scoped3A = tpu.sem_alloc : memref<!tpu.dma_semaphore, #tpu.memory_space<semaphore_mem>>
        %dma_start3A_27 = tpu.memref_slice %arg6[%multiple_of3A] : memref<32640xi32, #tpu.memory_space<hbm>> -> memref<6528xi32, #tpu.memory_space<hbm>>
        %dma_start3A_28 = tpu.memref_slice %arg6[%multiple_of3A] : memref<32640xi32, #tpu.memory_space<hbm>> -> memref<6528xi32, #tpu.memory_space<hbm>>
        tpu.enqueue_dma source(%dma_start3A_28 : memref<6528xi32, #tpu.memory_space<hbm>>) target(%arg10 : memref<6528xi32, #tpu.memory_space<vmem>>) target_semaphore(%run_scoped3A : memref<!tpu.dma_semaphore, #tpu.memory_space<semaphore_mem>>)
        %dma_wait3A_29 = tpu.memref_slice %arg6[%multiple_of3A] : memref<32640xi32, #tpu.memory_space<hbm>> -> memref<6528xi32, #tpu.memory_space<hbm>>
        %dma_wait3A_30 = tpu.memref_slice %arg6[%multiple_of3A] : memref<32640xi32, #tpu.memory_space<hbm>> -> memref<6528xi32, #tpu.memory_space<hbm>>
        tpu.wait_dma2 semaphore(%run_scoped3A : memref<!tpu.dma_semaphore, #tpu.memory_space<semaphore_mem>>) src(%dma_wait3A_30 : memref<6528xi32, #tpu.memory_space<hbm>>) dst(%arg10 : memref<6528xi32, #tpu.memory_space<vmem>>)
        tpu.yield
      }) : () -> ()
      "tpu.region"() ({
        %run_scoped3A = tpu.sem_alloc : memref<!tpu.dma_semaphore, #tpu.memory_space<semaphore_mem>>
        %dma_start3A_27 = tpu.memref_slice %arg3[%multiple_of3A] : memref<32640xf32, #tpu.memory_space<hbm>> -> memref<6528xf32, #tpu.memory_space<hbm>>
        %dma_start3A_28 = tpu.memref_slice %arg3[%multiple_of3A] : memref<32640xf32, #tpu.memory_space<hbm>> -> memref<6528xf32, #tpu.memory_space<hbm>>
        tpu.enqueue_dma source(%dma_start3A_28 : memref<6528xf32, #tpu.memory_space<hbm>>) target(%arg11 : memref<6528xf32, #tpu.memory_space<vmem>>) target_semaphore(%run_scoped3A : memref<!tpu.dma_semaphore, #tpu.memory_space<semaphore_mem>>)
        %dma_wait3A_29 = tpu.memref_slice %arg3[%multiple_of3A] : memref<32640xf32, #tpu.memory_space<hbm>> -> memref<6528xf32, #tpu.memory_space<hbm>>
        %dma_wait3A_30 = tpu.memref_slice %arg3[%multiple_of3A] : memref<32640xf32, #tpu.memory_space<hbm>> -> memref<6528xf32, #tpu.memory_space<hbm>>
        tpu.wait_dma2 semaphore(%run_scoped3A : memref<!tpu.dma_semaphore, #tpu.memory_space<semaphore_mem>>) src(%dma_wait3A_30 : memref<6528xf32, #tpu.memory_space<hbm>>) dst(%arg11 : memref<6528xf32, #tpu.memory_space<vmem>>)
        tpu.yield
      }) : () -> ()
      "tpu.region"() ({
        %run_scoped3A = tpu.sem_alloc : memref<!tpu.dma_semaphore, #tpu.memory_space<semaphore_mem>>
        %dma_start3A_27 = tpu.memref_slice %arg4[%multiple_of3A] : memref<32640xf32, #tpu.memory_space<hbm>> -> memref<6528xf32, #tpu.memory_space<hbm>>
        %dma_start3A_28 = tpu.memref_slice %arg4[%multiple_of3A] : memref<32640xf32, #tpu.memory_space<hbm>> -> memref<6528xf32, #tpu.memory_space<hbm>>
        tpu.enqueue_dma source(%dma_start3A_28 : memref<6528xf32, #tpu.memory_space<hbm>>) target(%arg12 : memref<6528xf32, #tpu.memory_space<vmem>>) target_semaphore(%run_scoped3A : memref<!tpu.dma_semaphore, #tpu.memory_space<semaphore_mem>>)
        %dma_wait3A_29 = tpu.memref_slice %arg4[%multiple_of3A] : memref<32640xf32, #tpu.memory_space<hbm>> -> memref<6528xf32, #tpu.memory_space<hbm>>
        %dma_wait3A_30 = tpu.memref_slice %arg4[%multiple_of3A] : memref<32640xf32, #tpu.memory_space<hbm>> -> memref<6528xf32, #tpu.memory_space<hbm>>
        tpu.wait_dma2 semaphore(%run_scoped3A : memref<!tpu.dma_semaphore, #tpu.memory_space<semaphore_mem>>) src(%dma_wait3A_30 : memref<6528xf32, #tpu.memory_space<hbm>>) dst(%arg12 : memref<6528xf32, #tpu.memory_space<vmem>>)
        tpu.yield
      }) : () -> ()
      %parallel_loop3A = arith.constant 0 : i32
      %parallel_loop3A_14 = arith.constant 408 : i32
      %parallel_loop3A_15 = arith.constant 1 : i32
      scf.for %parallel_loop3A_27 = %parallel_loop3A to %parallel_loop3A_14 step %parallel_loop3A_15  : i32 {
        %parallel_loop3A_28 = arith.constant 16 : i32
        %parallel_loop3A_29 = arith.muli %parallel_loop3A_27, %parallel_loop3A_28 : i32
        %parallel_loop3A_30 = arith.index_cast %parallel_loop3A_29 : i32 to index
        %parallel_loop3A_31 = tpu.vector_load %arg12[%parallel_loop3A_30] {strides = array<i32>} : memref<6528xf32, #tpu.memory_space<vmem>>, vector<16xf32>,
        %parallel_loop3A_32 = math.exp %parallel_loop3A_31 : vector<16xf32>
        %parallel_loop3A_33 = arith.constant 5.000000e-01 : f32
        %parallel_loop3A_34 = arith.constant 5.000000e+01 : f32
        %parallel_loop3A_35 = vector.broadcast %parallel_loop3A_33 : f32 to vector<16xf32>
        %parallel_loop3A_36 = arith.maximumf %parallel_loop3A_35, %parallel_loop3A_32 : vector<16xf32>
        %parallel_loop3A_37 = vector.broadcast %parallel_loop3A_34 : f32 to vector<16xf32>
        %parallel_loop3A_38 = arith.minimumf %parallel_loop3A_37, %parallel_loop3A_36 : vector<16xf32>
        %parallel_loop3A_39 = arith.index_cast %parallel_loop3A_29 : i32 to index
        %parallel_loop3A_40 = tpu.vector_load %arg11[%parallel_loop3A_39] {strides = array<i32>} : memref<6528xf32, #tpu.memory_space<vmem>>, vector<16xf32>,
        %parallel_loop3A_41 = arith.mulf %parallel_loop3A_38, %parallel_loop3A_40 : vector<16xf32>
        %parallel_loop3A_42 = arith.index_cast %parallel_loop3A_29 : i32 to index
        %parallel_loop3A_43 = tpu.vector_load %arg12[%parallel_loop3A_42] {strides = array<i32>} : memref<6528xf32, #tpu.memory_space<vmem>>, vector<16xf32>,
        tpu.vector_store %arg12[%parallel_loop3A_42], %parallel_loop3A_41 {strides = array<i32>} : memref<6528xf32, #tpu.memory_space<vmem>>, vector<16xf32>,
        %parallel_loop3A_44 = arith.constant 0.000000e+00 : f32
        %parallel_loop3A_45 = vector.broadcast %parallel_loop3A_44 : f32 to vector<16xf32>
        %parallel_loop3A_46 = arith.subf %parallel_loop3A_45, %parallel_loop3A_38 : vector<16xf32>
        %parallel_loop3A_47 = arith.index_cast %parallel_loop3A_29 : i32 to index
        %parallel_loop3A_48 = tpu.vector_load %arg11[%parallel_loop3A_47] {strides = array<i32>} : memref<6528xf32, #tpu.memory_space<vmem>>, vector<16xf32>,
        tpu.vector_store %arg11[%parallel_loop3A_47], %parallel_loop3A_46 {strides = array<i32>} : memref<6528xf32, #tpu.memory_space<vmem>>, vector<16xf32>,
      } {sc.loop_unroll_factor = 1 : i64, sc.parallel_access}
      %parallel_loop3A_16 = arith.constant 0 : i32
      %parallel_loop3A_17 = arith.constant 408 : i32
      %parallel_loop3A_18 = arith.constant 1 : i32
      scf.for %parallel_loop3A_27 = %parallel_loop3A_16 to %parallel_loop3A_17 step %parallel_loop3A_18  : i32 {
        %parallel_loop3A_28 = arith.constant 16 : i32
        %parallel_loop3A_29 = arith.muli %parallel_loop3A_27, %parallel_loop3A_28 : i32
        %parallel_loop3A_30 = arith.index_cast %parallel_loop3A_29 : i32 to index
        %parallel_loop3A_31 = tpu.vector_load %arg11[%parallel_loop3A_30] {strides = array<i32>} : memref<6528xf32, #tpu.memory_space<vmem>>, vector<16xf32>,
        %parallel_loop3A_32 = arith.index_cast %parallel_loop3A_29 : i32 to index
        %parallel_loop3A_33 = tpu.vector_load %arg12[%parallel_loop3A_32] {strides = array<i32>} : memref<6528xf32, #tpu.memory_space<vmem>>, vector<16xf32>,
        %parallel_loop3A_34 = arith.index_cast %parallel_loop3A_29 : i32 to index
        %parallel_loop3A_35 = tpu.vector_load %arg9[%parallel_loop3A_34] {strides = array<i32>} : memref<6528xi32, #tpu.memory_space<vmem>>, vector<16xi32>,
        %parallel_loop3A_36 = arith.constant 0 : i32
        %parallel_loop3A_37 = vector.broadcast %parallel_loop3A_36 : i32 to vector<16xi32>
        %parallel_loop3A_38 = arith.addi %parallel_loop3A_35, %parallel_loop3A_37 : vector<16xi32>
        %parallel_loop3A_39 = arith.index_cast %parallel_loop3A_29 : i32 to index
        %parallel_loop3A_40 = tpu.vector_load %arg10[%parallel_loop3A_39] {strides = array<i32>} : memref<6528xi32, #tpu.memory_space<vmem>>, vector<16xi32>,
        %parallel_loop3A_41 = arith.constant 0 : i32
        %parallel_loop3A_42 = vector.broadcast %parallel_loop3A_41 : i32 to vector<16xi32>
        %parallel_loop3A_43 = arith.addi %parallel_loop3A_40, %parallel_loop3A_42 : vector<16xi32>
        %parallel_loop3A_44 = tpu.vector_load_idx %arg8[%parallel_loop3A_38] : memref<2048xf32, #tpu.memory_space<vmem>>[vector<16xi32>], vector<16xf32>,
        %parallel_loop3A_45 = tpu.vector_load_idx %arg8[%parallel_loop3A_43] : memref<2048xf32, #tpu.memory_space<vmem>>[vector<16xi32>], vector<16xf32>,
        %parallel_loop3A_46 = arith.subf %parallel_loop3A_44, %parallel_loop3A_45 : vector<16xf32>
        %parallel_loop3A_47 = arith.mulf %parallel_loop3A_31, %parallel_loop3A_46 : vector<16xf32>
        %parallel_loop3A_48 = arith.addf %parallel_loop3A_47, %parallel_loop3A_33 : vector<16xf32>
        %parallel_loop3A_49 = math.exp %parallel_loop3A_48 : vector<16xf32>
        %parallel_loop3A_50 = arith.constant 1.000000e+00 : f32
        %parallel_loop3A_51 = vector.broadcast %parallel_loop3A_50 : f32 to vector<16xf32>
        %parallel_loop3A_52 = arith.addf %parallel_loop3A_51, %parallel_loop3A_49 : vector<16xf32>
        %parallel_loop3A_53 = arith.constant 1.000000e+00 : f32
        %parallel_loop3A_54 = vector.broadcast %parallel_loop3A_53 : f32 to vector<16xf32>
        %parallel_loop3A_55 = arith.divf %parallel_loop3A_54, %parallel_loop3A_52 : vector<16xf32>
        %parallel_loop3A_56 = arith.constant 16 : i32
        %parallel_loop3A_57 = arith.muli %parallel_loop3A_27, %parallel_loop3A_56 : i32
        %parallel_loop3A_58 = arith.constant 0 : i32
        %parallel_loop3A_59 = arith.index_cast %parallel_loop3A_58 : i32 to index
        %parallel_loop3A_60 = arith.index_cast %parallel_loop3A_57 : i32 to index
        %parallel_loop3A_61 = tpu.vector_load %arg13[%parallel_loop3A_59, %parallel_loop3A_60] {strides = array<i32>} : memref<8x6528xf32, #tpu.memory_space<vmem>>, vector<16xf32>,
        tpu.vector_store %arg13[%parallel_loop3A_59, %parallel_loop3A_60], %parallel_loop3A_55 {strides = array<i32>} : memref<8x6528xf32, #tpu.memory_space<vmem>>, vector<16xf32>,
        %parallel_loop3A_62 = arith.constant 256 : i32
        %parallel_loop3A_63 = vector.broadcast %parallel_loop3A_62 : i32 to vector<16xi32>
        %parallel_loop3A_64 = arith.addi %parallel_loop3A_38, %parallel_loop3A_63 : vector<16xi32>
        %parallel_loop3A_65 = arith.constant 256 : i32
        %parallel_loop3A_66 = vector.broadcast %parallel_loop3A_65 : i32 to vector<16xi32>
        %parallel_loop3A_67 = arith.addi %parallel_loop3A_43, %parallel_loop3A_66 : vector<16xi32>
        %parallel_loop3A_68 = tpu.vector_load_idx %arg8[%parallel_loop3A_64] : memref<2048xf32, #tpu.memory_space<vmem>>[vector<16xi32>], vector<16xf32>,
        %parallel_loop3A_69 = tpu.vector_load_idx %arg8[%parallel_loop3A_67] : memref<2048xf32, #tpu.memory_space<vmem>>[vector<16xi32>], vector<16xf32>,
        %parallel_loop3A_70 = arith.subf %parallel_loop3A_68, %parallel_loop3A_69 : vector<16xf32>
        %parallel_loop3A_71 = arith.mulf %parallel_loop3A_31, %parallel_loop3A_70 : vector<16xf32>
        %parallel_loop3A_72 = arith.addf %parallel_loop3A_71, %parallel_loop3A_33 : vector<16xf32>
        %parallel_loop3A_73 = math.exp %parallel_loop3A_72 : vector<16xf32>
        %parallel_loop3A_74 = arith.constant 1.000000e+00 : f32
        %parallel_loop3A_75 = vector.broadcast %parallel_loop3A_74 : f32 to vector<16xf32>
        %parallel_loop3A_76 = arith.addf %parallel_loop3A_75, %parallel_loop3A_73 : vector<16xf32>
        %parallel_loop3A_77 = arith.constant 1.000000e+00 : f32
        %parallel_loop3A_78 = vector.broadcast %parallel_loop3A_77 : f32 to vector<16xf32>
        %parallel_loop3A_79 = arith.divf %parallel_loop3A_78, %parallel_loop3A_76 : vector<16xf32>
        %parallel_loop3A_80 = arith.constant 16 : i32
        %parallel_loop3A_81 = arith.muli %parallel_loop3A_27, %parallel_loop3A_80 : i32
        %parallel_loop3A_82 = arith.constant 1 : i32
        %parallel_loop3A_83 = arith.index_cast %parallel_loop3A_82 : i32 to index
        %parallel_loop3A_84 = arith.index_cast %parallel_loop3A_81 : i32 to index
        %parallel_loop3A_85 = tpu.vector_load %arg13[%parallel_loop3A_83, %parallel_loop3A_84] {strides = array<i32>} : memref<8x6528xf32, #tpu.memory_space<vmem>>, vector<16xf32>,
        tpu.vector_store %arg13[%parallel_loop3A_83, %parallel_loop3A_84], %parallel_loop3A_79 {strides = array<i32>} : memref<8x6528xf32, #tpu.memory_space<vmem>>, vector<16xf32>,
        %parallel_loop3A_86 = arith.constant 256 : i32
        %parallel_loop3A_87 = vector.broadcast %parallel_loop3A_86 : i32 to vector<16xi32>
        %parallel_loop3A_88 = arith.addi %parallel_loop3A_64, %parallel_loop3A_87 : vector<16xi32>
        %parallel_loop3A_89 = arith.constant 256 : i32
        %parallel_loop3A_90 = vector.broadcast %parallel_loop3A_89 : i32 to vector<16xi32>
        %parallel_loop3A_91 = arith.addi %parallel_loop3A_67, %parallel_loop3A_90 : vector<16xi32>
        %parallel_loop3A_92 = tpu.vector_load_idx %arg8[%parallel_loop3A_88] : memref<2048xf32, #tpu.memory_space<vmem>>[vector<16xi32>], vector<16xf32>,
        %parallel_loop3A_93 = tpu.vector_load_idx %arg8[%parallel_loop3A_91] : memref<2048xf32, #tpu.memory_space<vmem>>[vector<16xi32>], vector<16xf32>,
        %parallel_loop3A_94 = arith.subf %parallel_loop3A_92, %parallel_loop3A_93 : vector<16xf32>
        %parallel_loop3A_95 = arith.mulf %parallel_loop3A_31, %parallel_loop3A_94 : vector<16xf32>
        %parallel_loop3A_96 = arith.addf %parallel_loop3A_95, %parallel_loop3A_33 : vector<16xf32>
        %parallel_loop3A_97 = math.exp %parallel_loop3A_96 : vector<16xf32>
        %parallel_loop3A_98 = arith.constant 1.000000e+00 : f32
        %parallel_loop3A_99 = vector.broadcast %parallel_loop3A_98 : f32 to vector<16xf32>
        %parallel_loop3A_100 = arith.addf %parallel_loop3A_99, %parallel_loop3A_97 : vector<16xf32>
        %parallel_loop3A_101 = arith.constant 1.000000e+00 : f32
        %parallel_loop3A_102 = vector.broadcast %parallel_loop3A_101 : f32 to vector<16xf32>
        %parallel_loop3A_103 = arith.divf %parallel_loop3A_102, %parallel_loop3A_100 : vector<16xf32>
        %parallel_loop3A_104 = arith.constant 16 : i32
        %parallel_loop3A_105 = arith.muli %parallel_loop3A_27, %parallel_loop3A_104 : i32
        %parallel_loop3A_106 = arith.constant 2 : i32
        %parallel_loop3A_107 = arith.index_cast %parallel_loop3A_106 : i32 to index
        %parallel_loop3A_108 = arith.index_cast %parallel_loop3A_105 : i32 to index
        %parallel_loop3A_109 = tpu.vector_load %arg13[%parallel_loop3A_107, %parallel_loop3A_108] {strides = array<i32>} : memref<8x6528xf32, #tpu.memory_space<vmem>>, vector<16xf32>,
        tpu.vector_store %arg13[%parallel_loop3A_107, %parallel_loop3A_108], %parallel_loop3A_103 {strides = array<i32>} : memref<8x6528xf32, #tpu.memory_space<vmem>>, vector<16xf32>,
        %parallel_loop3A_110 = arith.constant 256 : i32
        %parallel_loop3A_111 = vector.broadcast %parallel_loop3A_110 : i32 to vector<16xi32>
        %parallel_loop3A_112 = arith.addi %parallel_loop3A_88, %parallel_loop3A_111 : vector<16xi32>
        %parallel_loop3A_113 = arith.constant 256 : i32
        %parallel_loop3A_114 = vector.broadcast %parallel_loop3A_113 : i32 to vector<16xi32>
        %parallel_loop3A_115 = arith.addi %parallel_loop3A_91, %parallel_loop3A_114 : vector<16xi32>
        %parallel_loop3A_116 = tpu.vector_load_idx %arg8[%parallel_loop3A_112] : memref<2048xf32, #tpu.memory_space<vmem>>[vector<16xi32>], vector<16xf32>,
        %parallel_loop3A_117 = tpu.vector_load_idx %arg8[%parallel_loop3A_115] : memref<2048xf32, #tpu.memory_space<vmem>>[vector<16xi32>], vector<16xf32>,
        %parallel_loop3A_118 = arith.subf %parallel_loop3A_116, %parallel_loop3A_117 : vector<16xf32>
        %parallel_loop3A_119 = arith.mulf %parallel_loop3A_31, %parallel_loop3A_118 : vector<16xf32>
        %parallel_loop3A_120 = arith.addf %parallel_loop3A_119, %parallel_loop3A_33 : vector<16xf32>
        %parallel_loop3A_121 = math.exp %parallel_loop3A_120 : vector<16xf32>
        %parallel_loop3A_122 = arith.constant 1.000000e+00 : f32
        %parallel_loop3A_123 = vector.broadcast %parallel_loop3A_122 : f32 to vector<16xf32>
        %parallel_loop3A_124 = arith.addf %parallel_loop3A_123, %parallel_loop3A_121 : vector<16xf32>
        %parallel_loop3A_125 = arith.constant 1.000000e+00 : f32
        %parallel_loop3A_126 = vector.broadcast %parallel_loop3A_125 : f32 to vector<16xf32>
        %parallel_loop3A_127 = arith.divf %parallel_loop3A_126, %parallel_loop3A_124 : vector<16xf32>
        %parallel_loop3A_128 = arith.constant 16 : i32
        %parallel_loop3A_129 = arith.muli %parallel_loop3A_27, %parallel_loop3A_128 : i32
        %parallel_loop3A_130 = arith.constant 3 : i32
        %parallel_loop3A_131 = arith.index_cast %parallel_loop3A_130 : i32 to index
        %parallel_loop3A_132 = arith.index_cast %parallel_loop3A_129 : i32 to index
        %parallel_loop3A_133 = tpu.vector_load %arg13[%parallel_loop3A_131, %parallel_loop3A_132] {strides = array<i32>} : memref<8x6528xf32, #tpu.memory_space<vmem>>, vector<16xf32>,
        tpu.vector_store %arg13[%parallel_loop3A_131, %parallel_loop3A_132], %parallel_loop3A_127 {strides = array<i32>} : memref<8x6528xf32, #tpu.memory_space<vmem>>, vector<16xf32>,
        %parallel_loop3A_134 = arith.constant 256 : i32
        %parallel_loop3A_135 = vector.broadcast %parallel_loop3A_134 : i32 to vector<16xi32>
        %parallel_loop3A_136 = arith.addi %parallel_loop3A_112, %parallel_loop3A_135 : vector<16xi32>
        %parallel_loop3A_137 = arith.constant 256 : i32
        %parallel_loop3A_138 = vector.broadcast %parallel_loop3A_137 : i32 to vector<16xi32>
        %parallel_loop3A_139 = arith.addi %parallel_loop3A_115, %parallel_loop3A_138 : vector<16xi32>
        %parallel_loop3A_140 = tpu.vector_load_idx %arg8[%parallel_loop3A_136] : memref<2048xf32, #tpu.memory_space<vmem>>[vector<16xi32>], vector<16xf32>,
        %parallel_loop3A_141 = tpu.vector_load_idx %arg8[%parallel_loop3A_139] : memref<2048xf32, #tpu.memory_space<vmem>>[vector<16xi32>], vector<16xf32>,
        %parallel_loop3A_142 = arith.subf %parallel_loop3A_140, %parallel_loop3A_141 : vector<16xf32>
        %parallel_loop3A_143 = arith.mulf %parallel_loop3A_31, %parallel_loop3A_142 : vector<16xf32>
        %parallel_loop3A_144 = arith.addf %parallel_loop3A_143, %parallel_loop3A_33 : vector<16xf32>
        %parallel_loop3A_145 = math.exp %parallel_loop3A_144 : vector<16xf32>
        %parallel_loop3A_146 = arith.constant 1.000000e+00 : f32
        %parallel_loop3A_147 = vector.broadcast %parallel_loop3A_146 : f32 to vector<16xf32>
        %parallel_loop3A_148 = arith.addf %parallel_loop3A_147, %parallel_loop3A_145 : vector<16xf32>
        %parallel_loop3A_149 = arith.constant 1.000000e+00 : f32
        %parallel_loop3A_150 = vector.broadcast %parallel_loop3A_149 : f32 to vector<16xf32>
        %parallel_loop3A_151 = arith.divf %parallel_loop3A_150, %parallel_loop3A_148 : vector<16xf32>
        %parallel_loop3A_152 = arith.constant 16 : i32
        %parallel_loop3A_153 = arith.muli %parallel_loop3A_27, %parallel_loop3A_152 : i32
        %parallel_loop3A_154 = arith.constant 4 : i32
        %parallel_loop3A_155 = arith.index_cast %parallel_loop3A_154 : i32 to index
        %parallel_loop3A_156 = arith.index_cast %parallel_loop3A_153 : i32 to index
        %parallel_loop3A_157 = tpu.vector_load %arg13[%parallel_loop3A_155, %parallel_loop3A_156] {strides = array<i32>} : memref<8x6528xf32, #tpu.memory_space<vmem>>, vector<16xf32>,
        tpu.vector_store %arg13[%parallel_loop3A_155, %parallel_loop3A_156], %parallel_loop3A_151 {strides = array<i32>} : memref<8x6528xf32, #tpu.memory_space<vmem>>, vector<16xf32>,
        %parallel_loop3A_158 = arith.constant 256 : i32
        %parallel_loop3A_159 = vector.broadcast %parallel_loop3A_158 : i32 to vector<16xi32>
        %parallel_loop3A_160 = arith.addi %parallel_loop3A_136, %parallel_loop3A_159 : vector<16xi32>
        %parallel_loop3A_161 = arith.constant 256 : i32
        %parallel_loop3A_162 = vector.broadcast %parallel_loop3A_161 : i32 to vector<16xi32>
        %parallel_loop3A_163 = arith.addi %parallel_loop3A_139, %parallel_loop3A_162 : vector<16xi32>
        %parallel_loop3A_164 = tpu.vector_load_idx %arg8[%parallel_loop3A_160] : memref<2048xf32, #tpu.memory_space<vmem>>[vector<16xi32>], vector<16xf32>,
        %parallel_loop3A_165 = tpu.vector_load_idx %arg8[%parallel_loop3A_163] : memref<2048xf32, #tpu.memory_space<vmem>>[vector<16xi32>], vector<16xf32>,
        %parallel_loop3A_166 = arith.subf %parallel_loop3A_164, %parallel_loop3A_165 : vector<16xf32>
        %parallel_loop3A_167 = arith.mulf %parallel_loop3A_31, %parallel_loop3A_166 : vector<16xf32>
        %parallel_loop3A_168 = arith.addf %parallel_loop3A_167, %parallel_loop3A_33 : vector<16xf32>
        %parallel_loop3A_169 = math.exp %parallel_loop3A_168 : vector<16xf32>
        %parallel_loop3A_170 = arith.constant 1.000000e+00 : f32
        %parallel_loop3A_171 = vector.broadcast %parallel_loop3A_170 : f32 to vector<16xf32>
        %parallel_loop3A_172 = arith.addf %parallel_loop3A_171, %parallel_loop3A_169 : vector<16xf32>
        %parallel_loop3A_173 = arith.constant 1.000000e+00 : f32
        %parallel_loop3A_174 = vector.broadcast %parallel_loop3A_173 : f32 to vector<16xf32>
        %parallel_loop3A_175 = arith.divf %parallel_loop3A_174, %parallel_loop3A_172 : vector<16xf32>
        %parallel_loop3A_176 = arith.constant 16 : i32
        %parallel_loop3A_177 = arith.muli %parallel_loop3A_27, %parallel_loop3A_176 : i32
        %parallel_loop3A_178 = arith.constant 5 : i32
        %parallel_loop3A_179 = arith.index_cast %parallel_loop3A_178 : i32 to index
        %parallel_loop3A_180 = arith.index_cast %parallel_loop3A_177 : i32 to index
        %parallel_loop3A_181 = tpu.vector_load %arg13[%parallel_loop3A_179, %parallel_loop3A_180] {strides = array<i32>} : memref<8x6528xf32, #tpu.memory_space<vmem>>, vector<16xf32>,
        tpu.vector_store %arg13[%parallel_loop3A_179, %parallel_loop3A_180], %parallel_loop3A_175 {strides = array<i32>} : memref<8x6528xf32, #tpu.memory_space<vmem>>, vector<16xf32>,
        %parallel_loop3A_182 = arith.constant 256 : i32
        %parallel_loop3A_183 = vector.broadcast %parallel_loop3A_182 : i32 to vector<16xi32>
        %parallel_loop3A_184 = arith.addi %parallel_loop3A_160, %parallel_loop3A_183 : vector<16xi32>
        %parallel_loop3A_185 = arith.constant 256 : i32
        %parallel_loop3A_186 = vector.broadcast %parallel_loop3A_185 : i32 to vector<16xi32>
        %parallel_loop3A_187 = arith.addi %parallel_loop3A_163, %parallel_loop3A_186 : vector<16xi32>
        %parallel_loop3A_188 = tpu.vector_load_idx %arg8[%parallel_loop3A_184] : memref<2048xf32, #tpu.memory_space<vmem>>[vector<16xi32>], vector<16xf32>,
        %parallel_loop3A_189 = tpu.vector_load_idx %arg8[%parallel_loop3A_187] : memref<2048xf32, #tpu.memory_space<vmem>>[vector<16xi32>], vector<16xf32>,
        %parallel_loop3A_190 = arith.subf %parallel_loop3A_188, %parallel_loop3A_189 : vector<16xf32>
        %parallel_loop3A_191 = arith.mulf %parallel_loop3A_31, %parallel_loop3A_190 : vector<16xf32>
        %parallel_loop3A_192 = arith.addf %parallel_loop3A_191, %parallel_loop3A_33 : vector<16xf32>
        %parallel_loop3A_193 = math.exp %parallel_loop3A_192 : vector<16xf32>
        %parallel_loop3A_194 = arith.constant 1.000000e+00 : f32
        %parallel_loop3A_195 = vector.broadcast %parallel_loop3A_194 : f32 to vector<16xf32>
        %parallel_loop3A_196 = arith.addf %parallel_loop3A_195, %parallel_loop3A_193 : vector<16xf32>
        %parallel_loop3A_197 = arith.constant 1.000000e+00 : f32
        %parallel_loop3A_198 = vector.broadcast %parallel_loop3A_197 : f32 to vector<16xf32>
        %parallel_loop3A_199 = arith.divf %parallel_loop3A_198, %parallel_loop3A_196 : vector<16xf32>
        %parallel_loop3A_200 = arith.constant 16 : i32
        %parallel_loop3A_201 = arith.muli %parallel_loop3A_27, %parallel_loop3A_200 : i32
        %parallel_loop3A_202 = arith.constant 6 : i32
        %parallel_loop3A_203 = arith.index_cast %parallel_loop3A_202 : i32 to index
        %parallel_loop3A_204 = arith.index_cast %parallel_loop3A_201 : i32 to index
        %parallel_loop3A_205 = tpu.vector_load %arg13[%parallel_loop3A_203, %parallel_loop3A_204] {strides = array<i32>} : memref<8x6528xf32, #tpu.memory_space<vmem>>, vector<16xf32>,
        tpu.vector_store %arg13[%parallel_loop3A_203, %parallel_loop3A_204], %parallel_loop3A_199 {strides = array<i32>} : memref<8x6528xf32, #tpu.memory_space<vmem>>, vector<16xf32>,
        %parallel_loop3A_206 = arith.constant 256 : i32
        %parallel_loop3A_207 = vector.broadcast %parallel_loop3A_206 : i32 to vector<16xi32>
        %parallel_loop3A_208 = arith.addi %parallel_loop3A_184, %parallel_loop3A_207 : vector<16xi32>
        %parallel_loop3A_209 = arith.constant 256 : i32
        %parallel_loop3A_210 = vector.broadcast %parallel_loop3A_209 : i32 to vector<16xi32>
        %parallel_loop3A_211 = arith.addi %parallel_loop3A_187, %parallel_loop3A_210 : vector<16xi32>
        %parallel_loop3A_212 = tpu.vector_load_idx %arg8[%parallel_loop3A_208] : memref<2048xf32, #tpu.memory_space<vmem>>[vector<16xi32>], vector<16xf32>,
        %parallel_loop3A_213 = tpu.vector_load_idx %arg8[%parallel_loop3A_211] : memref<2048xf32, #tpu.memory_space<vmem>>[vector<16xi32>], vector<16xf32>,
        %parallel_loop3A_214 = arith.subf %parallel_loop3A_212, %parallel_loop3A_213 : vector<16xf32>
        %parallel_loop3A_215 = arith.mulf %parallel_loop3A_31, %parallel_loop3A_214 : vector<16xf32>
        %parallel_loop3A_216 = arith.addf %parallel_loop3A_215, %parallel_loop3A_33 : vector<16xf32>
        %parallel_loop3A_217 = math.exp %parallel_loop3A_216 : vector<16xf32>
        %parallel_loop3A_218 = arith.constant 1.000000e+00 : f32
        %parallel_loop3A_219 = vector.broadcast %parallel_loop3A_218 : f32 to vector<16xf32>
        %parallel_loop3A_220 = arith.addf %parallel_loop3A_219, %parallel_loop3A_217 : vector<16xf32>
        %parallel_loop3A_221 = arith.constant 1.000000e+00 : f32
        %parallel_loop3A_222 = vector.broadcast %parallel_loop3A_221 : f32 to vector<16xf32>
        %parallel_loop3A_223 = arith.divf %parallel_loop3A_222, %parallel_loop3A_220 : vector<16xf32>
        %parallel_loop3A_224 = arith.constant 16 : i32
        %parallel_loop3A_225 = arith.muli %parallel_loop3A_27, %parallel_loop3A_224 : i32
        %parallel_loop3A_226 = arith.constant 7 : i32
        %parallel_loop3A_227 = arith.index_cast %parallel_loop3A_226 : i32 to index
        %parallel_loop3A_228 = arith.index_cast %parallel_loop3A_225 : i32 to index
        %parallel_loop3A_229 = tpu.vector_load %arg13[%parallel_loop3A_227, %parallel_loop3A_228] {strides = array<i32>} : memref<8x6528xf32, #tpu.memory_space<vmem>>, vector<16xf32>,
        tpu.vector_store %arg13[%parallel_loop3A_227, %parallel_loop3A_228], %parallel_loop3A_223 {strides = array<i32>} : memref<8x6528xf32, #tpu.memory_space<vmem>>, vector<16xf32>,
      } {sc.loop_unroll_factor = 1 : i64, sc.parallel_access}
      %add3A_19 = arith.constant 0 : i32
      %add3A_20 = arith.addi %add3A_4, %add3A_19 : i32
      %dma_start3A = tpu.memref_slice %arg7[%add3A_20, %multiple_of3A] : memref<1024x32640xf32, #tpu.memory_space<hbm>> -> memref<8x6528xf32, #tpu.memory_space<hbm>>
      %dma_start3A_21 = tpu.memref_slice %arg7[%add3A_20, %multiple_of3A] : memref<1024x32640xf32, #tpu.memory_space<hbm>> -> memref<8x6528xf32, #tpu.memory_space<hbm>>
      tpu.enqueue_dma source(%arg13 : memref<8x6528xf32, #tpu.memory_space<vmem>>) target(%dma_start3A_21 : memref<8x6528xf32, #tpu.memory_space<hbm>>) target_semaphore(%arg15 : memref<!tpu.dma_semaphore, #tpu.memory_space<semaphore_mem>>)
      %dma_wait3A = arith.constant 0 : i32
      %dma_wait3A_22 = arith.constant 0 : i32
      %dma_wait3A_23 = tpu.memref_slice %arg7[%dma_wait3A, %dma_wait3A_22] : memref<1024x32640xf32, #tpu.memory_space<hbm>> -> memref<8x6528xf32, #tpu.memory_space<hbm>>
      %dma_wait3A_24 = arith.constant 0 : i32
      %dma_wait3A_25 = arith.constant 0 : i32
      %dma_wait3A_26 = tpu.memref_slice %arg7[%dma_wait3A_24, %dma_wait3A_25] : memref<1024x32640xf32, #tpu.memory_space<hbm>> -> memref<8x6528xf32, #tpu.memory_space<hbm>>
      tpu.wait_dma2 semaphore(%arg15 : memref<!tpu.dma_semaphore, #tpu.memory_space<semaphore_mem>>) src(%arg13 : memref<8x6528xf32, #tpu.memory_space<vmem>>) dst(%dma_wait3A_26 : memref<8x6528xf32, #tpu.memory_space<hbm>>)
    }
    %scan3A_10 = arith.constant 5 : i32
    return
  }
}

module attributes {stable_mosaic.version = 14 : i64} {
  func.func @_tc_alias_body(%arg0: i32, %arg1: i32, %arg2: memref<1x1x2176xi32, #tpu.memory_space<vmem>>, %arg3: memref<1x1x2176xi32, #tpu.memory_space<vmem>>, %arg4: memref<1x1x2176xf32, #tpu.memory_space<vmem>>, %arg5: memref<1x1x2176xf32, #tpu.memory_space<vmem>>, %arg6: memref<768x256xf32, #tpu.memory_space<vmem>>, %arg7: memref<1024x32640xf32, #tpu.memory_space<any>>, %arg8: memref<768x2176xf32, #tpu.memory_space<vmem>>) attributes {dimension_semantics = [#tpu.dimension_semantics<arbitrary>, #tpu.dimension_semantics<arbitrary>], iteration_bounds = array<i64: 1, 15>, scalar_prefetch = 0 : i64, scratch_operands = 0 : i64, tpu.core_type = #tpu.core_type<tc>, window_params = [{transform_indices = @transform_0, window_bounds = array<i64: 1, 1, 2176>}, {transform_indices = @transform_1, window_bounds = array<i64: 1, 1, 2176>}, {transform_indices = @transform_2, window_bounds = array<i64: 1, 1, 2176>}, {transform_indices = @transform_3, window_bounds = array<i64: 1, 1, 2176>}, {transform_indices = @transform_4, window_bounds = array<i64: 768, 256>}, {}, {transform_indices = @transform_6, window_bounds = array<i64: 768, 2176>}]} {
    %get3A = arith.constant 0 : index
    %get3A_0 = arith.constant 0 : index
    %get3A_1 = arith.constant 0 : index
    %get3A_2 = vector.load %arg2[%get3A, %get3A_0, %get3A_1] : memref<1x1x2176xi32, #tpu.memory_space<vmem>>, vector<1x1x2176xi32>
    %get3A_3 = vector.shape_cast %get3A_2 : vector<1x1x2176xi32> to vector<1x2176xi32>
    %get3A_4 = arith.constant 0 : index
    %get3A_5 = arith.constant 0 : index
    %get3A_6 = arith.constant 0 : index
    %get3A_7 = vector.load %arg3[%get3A_4, %get3A_5, %get3A_6] : memref<1x1x2176xi32, #tpu.memory_space<vmem>>, vector<1x1x2176xi32>
    %get3A_8 = vector.shape_cast %get3A_7 : vector<1x1x2176xi32> to vector<1x2176xi32>
    %iota3A = tpu.iota {dimensions = array<i32: 0>} : vector<256x2176xi32>
    %eq3A = vector.broadcast %get3A_3 : vector<1x2176xi32> to vector<256x2176xi32>
    %eq3A_9 = arith.cmpi eq, %iota3A, %eq3A : vector<256x2176xi32>
    %jit3A = arith.constant 1.000000e+00 : f32
    %jit3A_10 = arith.constant 0.000000e+00 : f32
    %broadcast_in_dim3A = vector.broadcast %jit3A : f32 to vector<256x2176xf32>
    %broadcast_in_dim3A_11 = vector.broadcast %jit3A_10 : f32 to vector<256x2176xf32>
    %select_n3A = arith.select %eq3A_9, %broadcast_in_dim3A, %broadcast_in_dim3A_11 : vector<256x2176xi1>, vector<256x2176xf32>
    %eq3A_12 = vector.broadcast %get3A_8 : vector<1x2176xi32> to vector<256x2176xi32>
    %eq3A_13 = arith.cmpi eq, %iota3A, %eq3A_12 : vector<256x2176xi32>
    %jit3A_14 = arith.constant 1.000000e+00 : f32
    %jit3A_15 = arith.constant 0.000000e+00 : f32
    %broadcast_in_dim3A_16 = vector.broadcast %jit3A_14 : f32 to vector<256x2176xf32>
    %broadcast_in_dim3A_17 = vector.broadcast %jit3A_15 : f32 to vector<256x2176xf32>
    %select_n3A_18 = arith.select %eq3A_13, %broadcast_in_dim3A_16, %broadcast_in_dim3A_17 : vector<256x2176xi1>, vector<256x2176xf32>
    %sub3A = arith.subf %select_n3A, %select_n3A_18 : vector<256x2176xf32>
    %get3A_19 = arith.constant 0 : index
    %get3A_20 = arith.constant 0 : index
    %get3A_21 = vector.load %arg6[%get3A_19, %get3A_20] : memref<768x256xf32, #tpu.memory_space<vmem>>, vector<768x256xf32>
    %dot_general3A = arith.constant dense<0.000000e+00> : vector<768x2176xf32>
    %dot_general3A_22 = tpu.matmul %get3A_21, %sub3A, %dot_general3A {dimension_numbers = #tpu.dot_dimension_numbers<[1], [0], [0], [1], [0, 0, 1, 1], [], []>, transpose_lhs_hint = false} : vector<768x256xf32>, vector<256x2176xf32>, vector<768x2176xf32> -> vector<768x2176xf32>
    %get3A_23 = arith.constant 0 : index
    %get3A_24 = arith.constant 0 : index
    %get3A_25 = arith.constant 0 : index
    %get3A_26 = vector.load %arg5[%get3A_23, %get3A_24, %get3A_25] : memref<1x1x2176xf32, #tpu.memory_space<vmem>>, vector<1x1x2176xf32>
    %get3A_27 = vector.shape_cast %get3A_26 : vector<1x1x2176xf32> to vector<1x2176xf32>
    %exp3A = math.exp %get3A_27 : vector<1x2176xf32>
    %jit3A_28 = arith.constant 5.000000e-01 : f32
    %jit3A_29 = arith.constant 5.000000e+01 : f32
    %max3A = vector.broadcast %jit3A_28 : f32 to vector<1x2176xf32>
    %max3A_30 = arith.maximumf %max3A, %exp3A : vector<1x2176xf32>
    %min3A = vector.broadcast %jit3A_29 : f32 to vector<1x2176xf32>
    %min3A_31 = arith.minimumf %min3A, %max3A_30 : vector<1x2176xf32>
    %get3A_32 = arith.constant 0 : index
    %get3A_33 = arith.constant 0 : index
    %get3A_34 = arith.constant 0 : index
    %get3A_35 = vector.load %arg4[%get3A_32, %get3A_33, %get3A_34] : memref<1x1x2176xf32, #tpu.memory_space<vmem>>, vector<1x1x2176xf32>
    %get3A_36 = vector.shape_cast %get3A_35 : vector<1x1x2176xf32> to vector<1x2176xf32>
    %sub3A_37 = vector.broadcast %get3A_36 : vector<1x2176xf32> to vector<768x2176xf32>
    %sub3A_38 = arith.subf %dot_general3A_22, %sub3A_37 : vector<768x2176xf32>
    %mul3A = vector.broadcast %min3A_31 : vector<1x2176xf32> to vector<768x2176xf32>
    %mul3A_39 = arith.mulf %mul3A, %sub3A_38 : vector<768x2176xf32>
    %logistic3A = arith.negf %mul3A_39 : vector<768x2176xf32>
    %logistic3A_40 = math.exp %logistic3A : vector<768x2176xf32>
    %logistic3A_41 = arith.constant 1.000000e+00 : f32
    %logistic3A_42 = vector.broadcast %logistic3A_41 : f32 to vector<768x2176xf32>
    %logistic3A_43 = arith.addf %logistic3A_42, %logistic3A_40 : vector<768x2176xf32>
    %logistic3A_44 = arith.divf %logistic3A_42, %logistic3A_43 : vector<768x2176xf32>
    %swap3A = arith.constant 0 : index
    %swap3A_45 = arith.constant 0 : index
    %swap3A_46 = vector.load %arg8[%swap3A, %swap3A_45] : memref<768x2176xf32, #tpu.memory_space<vmem>>, vector<768x2176xf32>
    tpu.vector_store %arg8[%swap3A, %swap3A_45], %logistic3A_44 {strides = array<i32>} : memref<768x2176xf32, #tpu.memory_space<vmem>>, vector<768x2176xf32>,
    return
  }
  func.func @transform_0(%arg0: i32, %arg1: i32) -> (i32, i32, i32) {
    %c0_i32 = arith.constant 0 : i32
    %c0_i32_0 = arith.constant 0 : i32
    %c0_i32_1 = arith.constant 0 : i32
    return %arg1, %c0_i32, %c0_i32_0 : i32, i32, i32
  }
  func.func @transform_1(%arg0: i32, %arg1: i32) -> (i32, i32, i32) {
    %c0_i32 = arith.constant 0 : i32
    %c0_i32_0 = arith.constant 0 : i32
    %c0_i32_1 = arith.constant 0 : i32
    return %arg1, %c0_i32, %c0_i32_0 : i32, i32, i32
  }
  func.func @transform_2(%arg0: i32, %arg1: i32) -> (i32, i32, i32) {
    %c0_i32 = arith.constant 0 : i32
    %c0_i32_0 = arith.constant 0 : i32
    %c0_i32_1 = arith.constant 0 : i32
    return %arg1, %c0_i32, %c0_i32_0 : i32, i32, i32
  }
  func.func @transform_3(%arg0: i32, %arg1: i32) -> (i32, i32, i32) {
    %c0_i32 = arith.constant 0 : i32
    %c0_i32_0 = arith.constant 0 : i32
    %c0_i32_1 = arith.constant 0 : i32
    return %arg1, %c0_i32, %c0_i32_0 : i32, i32, i32
  }
  func.func @transform_4(%arg0: i32, %arg1: i32) -> (i32, i32) {
    %c0_i32 = arith.constant 0 : i32
    %c0_i32_0 = arith.constant 0 : i32
    return %arg0, %c0_i32 : i32, i32
  }
  func.func @transform_6(%arg0: i32, %arg1: i32) -> (i32, i32) {
    %c0_i32 = arith.constant 0 : i32
    return %arg0, %arg1 : i32, i32
  }
}

</mosaic_0001>

<sc_bundles>
// kernel: kernel.4.cloned.1.call-start
scs
__scs_entry_jumppad:
0x0: {  	(pc) =	sbr.rel $0x88, $3  }
0x1: {  	(tag) =	ssettag $0x0;
	lr =	simm.s32 $0x1  }
0x2: {  	[smem:$0x3F9C] =	sst lr;
	_ =	strace $0xD0000000  }
0x3: {  	_ = 	snop  }
0x4: {  	_ = 	snop  }
0x5: {  	_ = 	snop  }
0x6: {  	_ = 	snop  }
0x7: {  	_ = 	snop  }
__scs_overlays_trampoline_lowered:
0x8: {  	[smem:$0x3FAB] =	sst s0  }
0x9: {  	[smem:$0x3FAC] =	sst s1  }
0xa: {  	[smem:$0x3FAD] =	sst s2  }
0xb: {  	[smem:$0x3FAE] =	sst s3  }
0xc: {  	[smem:$0x3FAF] =	sst s4  }
0xd: {  	[smem:$0x3FB0] =	sst s5  }
0xe: {  	[smem:$0x3FB1] =	sst s6  }
0xf: {  	[smem:$0x3FB2] =	sst s7  }
0x10: {  	[smem:$0x3FB3] =	sst s8  }
0x11: {  	[smem:$0x3FB4] =	sst s9;
	s0 =	simm.s32 @!p0 $0x0  }
0x12: {  	s1 =	sld [smem:$0x3F9A];
	s0 =	simm.s32 @p0 $0x1  }
0x13: {  	[smem:$0x3FB5] =	sst s0;
	s0 =	simm.s32 @!p1 $0x0  }
0x14: {  	s2 =	sld [smem:$0x3F99];
	s0 =	simm.s32 @p1 $0x1  }
0x15: {  	[smem:$0x3FB6] =	sst s0;
	s0 =	simm.s32 @!p2 $0x0  }
0x16: {  	s3 =	sld [smem:$0x3FDB];
	s0 =	simm.s32 @p2 $0x1  }
0x17: {  	s4 =	simm.s32 $0x1BF5;
	[smem:$0x3FB8] =	sst s0  }
0x18: {  	s0 =	sld [smem:$0x3F9B];
	_ =	swait.ge [sflag:s4], $0x0  }
0x19: {  	s7 =	sld [smem:$0x3F9C]  }
0x1a: {  	s8 =	sadd.s32 $0xFFFFE003, lr  }
0x1b: {  	s9 =	sadd.s32 $0xFFFFFEF7, lr;
	s5 =	simm.s32 $0xFFFFFFFF;
	p2 =	slt.u32 s8, $0xFFFFF086  }
0x1c: {  	p1 =	slt.u32 s9, $0xF7A;
	s5 =	simm.s32 @!p2 $0x0  }
0x1d: {  	s5 =	simm.s32 @p1 $0x1;
	p0 =	seq.s32 s7, s2  }
0x1e: {  	s7 =	smul.u32 @!p0 $0xF7A, s2;
	p2 =	seq.s32 @!p0 s5, $0x0  }
0x1f: {  	s9 =	smul.u32 $0xF7A, s1;
	s8 =	simm.s32 @!p0 $0x1BF5;
	p2 =	por !p2, p0  }
0x20: {  	[sflag:s8] =	ssyncset.s32 @!p0 $0xFFFFF086;
	s6 =	sadd.s32 @!p0 s3, s7;
	s7 =	simm.s32 @!p0 $0x108  }
0x21: {  	s3 =	sadd.s32 s3, s9;
	s6 =	sadd.s32 @!p0 $0x88, s6;
	s7 =	simm.s32 @p2 $0x1082  }
0x22: {  	[simem:s7], [sflag:s8] =	dma.local @!p0 [hbm:s6], $0xF7A  }
0x23: {  	s9 =	sor.u32 $0xD0000000, s2;
	s6 =	simm.s32 $0x108;
	_ =	swait.ge @!p0 [sflag:s8], $0x0  }
0x24: {  	s3 =	sadd.s32 $0x88, s3;
	s6 =	simm.s32 @!p1 $0x1082;
	[sflag:s4] =	ssyncset.s32 $0xFFFFF086  }
0x25: {  	[simem:s6], [sflag:s4] =	dma.local [hbm:s3], $0xF7A  }
0x26: {  	[smem:$0x3F9C] =	sst s1;
	(tag) =	ssettag s2;
	_ =	strace s9  }
0x27: {  	s1 =	sld [smem:$0x3FAC]  }
0x28: {  	s2 =	sld [smem:$0x3FAD]  }
0x29: {  	s4 =	sld [smem:$0x3FAF]  }
0x2a: {  	p0 =	seq.s32 s5, $0x0;
	s5 =	sld [smem:$0x3FB0]  }
0x2b: {  	s6 =	sld [smem:$0x3FB1]  }
0x2c: {  	s7 =	sld [smem:$0x3FB2]  }
0x2d: {  	s3 =	simm.s32 $0x108;
	s8 =	sld [smem:$0x3FB3]  }
0x2e: {  	s3 =	simm.s32 @!p0 $0x1082;
	s9 =	sld [smem:$0x3FB4]  }
0x2f: {  	lr =	sadd.s32 s0, s3;
	s0 =	sld [smem:$0x3FAB]  }
0x30: {  	s3 =	sld [smem:$0x3FAE]  }
0x31: {  	[smem:$0x3FB7] =	sst s10  }
0x32: {  	s10 =	sld [smem:$0x3FB5];
	_ =	sdelay $0x3  }
0x33: {  	p0 =	seq.s32 s10, $0x1;
	s10 =	sld [smem:$0x3FB7];
	_ =	sdelay $0x3  }
0x34: {  	[smem:$0x3FB7] =	sst s10  }
0x35: {  	s10 =	sld [smem:$0x3FB6];
	_ =	sdelay $0x3  }
0x36: {  	p1 =	seq.s32 s10, $0x1;
	s10 =	sld [smem:$0x3FB7];
	_ =	sdelay $0x3  }
0x37: {  	[smem:$0x3FB7] =	sst s10  }
0x38: {  	s10 =	sld [smem:$0x3FB8]  }
0x39: {  	_ = 	snop;
	(pc) =	sbr.ind lr, $3  }
0x3a: {  	_ = 	snop  }
0x3b: {  	_ = 	snop  }
0x3c: {  	p2 =	seq.s32 s10, $0x1;
	s10 =	sld [smem:$0x3FB7]  }
0x3d: {  	_ =	shalt  }
0x3e: {  	_ =	shalt  }
0x3f: {  	_ =	shalt  }
0x40: {  	_ =	shalt  }
0x41: {  	_ =	shalt  }
0x42: {  	_ =	shalt  }
0x43: {  	_ =	shalt  }
0x44: {  	_ =	shalt  }
0x45: {  	_ =	shalt  }
0x46: {  	_ =	shalt  }
0x47: {  	_ =	shalt  }
0x48: {  	_ =	shalt  }
0x49: {  	_ =	shalt  }
0x4a: {  	_ =	shalt  }
0x4b: {  	_ =	shalt  }
0x4c: {  	_ =	shalt  }
0x4d: {  	_ =	shalt  }
0x4e: {  	_ =	shalt  }
0x4f: {  	_ =	shalt  }
0x50: {  	_ =	shalt  }
0x51: {  	_ =	shalt  }
0x52: {  	_ =	shalt  }
0x53: {  	_ =	shalt  }
0x54: {  	_ =	shalt  }
0x55: {  	_ =	shalt  }
0x56: {  	_ =	shalt  }
0x57: {  	_ =	shalt  }
0x58: {  	_ =	shalt  }
0x59: {  	_ =	shalt  }
0x5a: {  	_ =	shalt  }
0x5b: {  	_ =	shalt  }
0x5c: {  	_ =	shalt  }
0x5d: {  	_ =	shalt  }
0x5e: {  	_ =	shalt  }
0x5f: {  	_ =	shalt  }
0x60: {  	_ =	shalt  }
0x61: {  	_ =	shalt  }
0x62: {  	_ =	shalt  }
0x63: {  	_ =	shalt  }
0x64: {  	_ =	shalt  }
0x65: {  	_ =	shalt  }
0x66: {  	_ =	shalt  }
0x67: {  	_ =	shalt  }
0x68: {  	_ =	shalt  }
0x69: {  	_ =	shalt  }
0x6a: {  	_ =	shalt  }
0x6b: {  	_ =	shalt  }
0x6c: {  	_ =	shalt  }
0x6d: {  	_ =	shalt  }
0x6e: {  	_ =	shalt  }
0x6f: {  	_ =	shalt  }
0x70: {  	_ =	shalt  }
0x71: {  	_ =	shalt  }
0x72: {  	_ =	shalt  }
0x73: {  	_ =	shalt  }
0x74: {  	_ =	shalt  }
0x75: {  	_ =	shalt  }
0x76: {  	_ =	shalt  }
0x77: {  	_ =	shalt  }
0x78: {  	_ =	shalt  }
0x79: {  	_ =	shalt  }
0x7a: {  	_ =	shalt  }
0x7b: {  	_ =	shalt  }
0x7c: {  	_ =	shalt  }
0x7d: {  	_ =	shalt  }
0x7e: {  	_ =	shalt  }
0x7f: {  	_ =	shalt  }
0x80: {  	_ =	shalt  }
0x81: {  	_ =	shalt  }
0x82: {  	_ =	shalt  }
0x83: {  	_ =	shalt  }
0x84: {  	_ =	shalt  }
0x85: {  	_ =	shalt  }
0x86: {  	_ =	shalt  }
0x87: {  	_ =	shalt  }
.Lfunc_end0:
.L_simem_size_0:
called_computation_lowered:
.L_overlay_start_0:
0x88: {  	s2 =	sld [smem:$0x3FD9]  }
0x89: {  	s3 =	sld [smem:$0x3FFE];
	_ =	sdelay $0x1  }
0x8a: {  	s1 =	srdreg.scid  }
0x8b: {  	s0 =	sand.u32 $0x1, s1  }
0x8c: {  	s17 =	sshll.u32 s0, $0xA;
	s2 =	sadd.s32 s3, s2  }
0x8d: {  	s2 =	sadd.s32 s2, s17  }
0x8e: {  	[smem:$0x3FC3] =	sst s2  }
0x8f: {  	_ = 	snop  }
0x90: {  	s2 =	sld [smem:$0x3FC8]  }
0x91: {  	s18 =	sld [smem:$0x3FC7]  }
0x92: {  	s4 =	sld [smem:$0x3FC6]  }
0x93: {  	s5 =	sld [smem:$0x3FC5]  }
0x94: {  	s6 =	sld [smem:$0x3FD0];
	(tm) =	ssettm $0x1  }
0x95: {  	s7 =	sld [smem:$0x3FFB];
	_ =	sdelay $0x3  }
0x96: {  	_ =	strace s7  }
0x97: {  	s7 =	sld [smem:$0x3FFC];
	_ =	sdelay $0x3  }
0x98: {  	_ =	strace s7  }
0x99: {  	s7 =	sld [smem:$0x3FFD];
	_ =	sdelay $0x3  }
0x9a: {  	_ =	strace s7  }
0x9b: {  	_ =	strace $0x8FFFFFFF  }
0x9c: {  	s19 =	sld [smem:$0x3FDB];
	_ =	sdelay $0x1  }
0x9d: {  	s8 =	simm.s32 $_scs_section_size  }
0x9e: {  	s9 =	simm.s32 $_size__tile_overlayer_lowered;
	s10 =	simm.s32 $_tile_overlayer_lowered  }
0x9f: {  	s22 =	simm.s32 $0x1BFF;
	s21 =	sshll.u32 s10, $0x1;
	s7 =	sadd.s32 s8, s19  }
0xa0: {  	s11 =	simm.s32 $0x0;
	s20 =	sshll.u32 s9, $0x1;
	s9 =	sadd.s32 s21, s7  }
0xa1: {  	[timem:s11], [sflag:s22] =	dma.local [hbm:s9], s20  }
0xa2: {  	_ =	swait.ge [sflag:s22], s20  }
0xa3: {  	s8 =	ssub.s32 $0x0, s20;
	[sflag:s22] =	ssyncset.done $0x0  }
0xa4: {  	[sflag:s22] =	ssyncadd.s32 s8;
	_ =	sdelay $0x1  }
0xa5: {  	s23 =	simm.s32 $0x1B8B  }
0xa6: {  	_ =	swait.ge [sflag:s23], $0x1  }
0xa7: {  	[sflag:s23] =	ssyncset.done $0x0  }
0xa8: {  	s25 =	simm.s32 $0x1B8E;
	s24 =	sld [smem:$0x3FFE];
	[sflag:s23] =	ssyncadd.s32 $0xFFFFFFFF  }
0xa9: {  	s26 =	simm.s32 $execute0_lowered;
	[smem:$0x3FD2] =	sst s25  }
0xaa: {  	s9 =	sshll.u32 s26, $0x1;
	_ =	strace $0x80000046;
	[dreg:$0x1] =	wrdreg $0xFFFFFFFF  }
0xab: {  	s28 =	simm.s32 $_size_execute0_lowered;
	s7 =	sadd.s32 s7, s9;
	[dreg:$0x0] =	wrdreg $0x0  }
0xac: {  	s9 =	sshll.u32 s28, $0x1;
	[dreg:$0x2] =	wrdreg s7  }
0xad: {  	[dreg:$0x3] =	wrdreg s9  }
0xae: {  	[dreg:$0x4] =	wrdreg $0xC0  }
0xaf: {  	_ =	task [dreg:s11], $0x5FFFF  }
0xb0: {  	[dreg:$0x1] =	wrdreg $0xFFFFFFFF  }
0xb1: {  	[dreg:$0x0] =	wrdreg $0x60  }
0xb2: {  	[dreg:$0x2] =	wrdreg s24  }
0xb3: {  	[dreg:$0x3] =	wrdreg s2  }
0xb4: {  	[dreg:$0x4] =	wrdreg s18  }
0xb5: {  	[dreg:$0x5] =	wrdreg s4  }
0xb6: {  	[dreg:$0x6] =	wrdreg s5  }
0xb7: {  	[dreg:$0x7] =	wrdreg s6  }
0xb8: {  	[dreg:$0x8] =	wrdreg $0x9  }
0xb9: {  	_ =	task.clear_ibuf [dreg:s11], $0x9FFFF;
	_ =	strace $0x90000046  }
0xba: {  	s29 =	simm.s32 $0x9;
	_ =	strace $0x80000048  }
0xbb: {  	_ =	swait.ge [sflag:s29], $0x1  }
0xbc: {  	[sflag:s29] =	ssyncadd.s32 $0xFFFFFFFF  }
0xbd: {  	_ =	strace $0x90000048  }
0xbe: {  	_ =	sfence  }
0xbf: {  	s30 =	sld [smem:$0x0];
	_ =	sdelay $0x2  }
0xc0: {  	s31 =	sshll.u32 s1, $0xD;
	s1 =	sshrl.u32 s1, $0x2  }
0xc1: {  	s3 =	sand.u32 $0x4000, s31;
	s1 =	sadd.s32 s1, s30  }
0xc2: {  	s0 =	sor.u32 s3, s0;
	s1 =	sshll.u32 s1, $0x11  }
0xc3: {  	s0 =	sor.u32 s1, s0  }
0xc4: {  	s0 =	sadd.s32 $0x8F2B, s0  }
0xc5: {  	[sflag:s0] =	ssyncadd.remote.s32 $0x1  }
0xc6: {  	_ =	sfence.sel $0xFFFF  }
0xc7: {  	[dreg:$0x0] =	wrdreg $0xFFFFFFFF;
	(pc) =	sbr.abs _section_cstart, $3  }
0xc8: {  	[dreg:$0x1] =	wrdreg $0xFFFFFFFF  }
0xc9: {  	_ =	task.clear_ibuf [dreg:s11], $0x2FFFF;
	_ =	strace $0x9FFFFFFF  }
0xca: {  	(tm) =	ssettm $0x7FFFFFFF  }
0xcb: {  	_ =	shalt  }
tec
execute0_lowered:
.L_overlay_start_1:
0x0: {  	(tag) =	ssettag $0x1  }
0x1: {  	s1 =	srdreg.scid  }
0x2: {  	s2 =	stileid.u32;
	s1 =	sand.u32 $0x1, s1  }
0x3: {  	s0 =	rddreg [dreg:$0x0];
	s2 =	sshll.u32 s2, $0x4;
	s3 =	sshll.u32 s1, $0x3  }
0x4: {  	s7 =	simm.s32 $0x0;
	s1 =	ssub.s32 $0x2, s1;
	s2 =	sor.u32 s3, s2  }
0x5: {  	[smem:$0x7FF] =	sst s7;
	s29 =	sshrl.u32 s1, $0x1;
	s2 =	sor.u32 $0x300, s2  }
0x6: {  	_ =	strace $0x80000047;
	s1 =	ssub.s32 s1, s29;
	s28 =	sshll.u32 s2, $0x5  }
0x7: {  	s2 =	sshrl.u32 s2, $0x3;
	s31 =	smax.u32 s1, $0x1;
	s0 =	sadd.s32 s28, s0  }
0x8: {  	s30 =	smul.u32 $0x3FC00, s2;
	[dreg:$0x9] =	wrdreg s31;
	s0 =	sadd.s32 $0xE00, s0  }
0x9: {  	[dreg:$0x7] =	wrdreg s0  }
0xa: {  	s11 =	simm.s32 $0x2;
	s1 =	simm.s32 $0x0;
	[dreg:$0x8] =	wrdreg s30  }
.LBB2_1:
0xb: {  	[dreg:$0xa] =	wrdreg s1  }
0xc: {  	s0 =	rddreg [dreg:$0x7]  }
0xd: {  	[tilespmem:s7], [sflag:$0x2] =	stream.linear.gather [hbm4b:s0+s7], $0x800, $0x38;
	[tilespmem:$0x13A00] =	vst v63  }
0xe: {  	_ =	swait.ge [sflag:s11], $0x800  }
0xf: {  	[sflag:s11] =	ssyncset.done $0x0  }
0x10: {  	s19 =	simm.s32 $0x0;
	[sflag:s11] =	ssyncadd.s32 $0xFFFFF800  }
.LBB2_2:
0x11: {  	s0 =	smul.u32 $0x1980, s19;
	_ =	sdelay $0x1  }
0x12: {  	s1 =	rddreg [dreg:$0x3];
	s0 =	sshrl.u32 s0, $0x3  }
0x13: {  	s20 =	simm.s32 $0x0;
	s2 =	simm.s32 $0x800;
	s1 =	sadd.s32 s1, s0  }
0x14: {  	[tilespmem:s2], [sflag:$0x2] =	stream.linear.gather [hbm4b:s1+s20], $0x1980, $0x38;
	[tilespmem:$0x13A00] =	vst v63  }
0x15: {  	_ =	swait.ge [sflag:s11], $0x1980  }
0x16: {  	[sflag:s11] =	ssyncset.done $0x0  }
0x17: {  	[sflag:s11] =	ssyncadd.s32 $0xFFFFE680  }
0x18: {  	s25 =	rddreg [dreg:$0x4]  }
0x19: {  	s26 =	simm.s32 $0x2180;
	s1 =	sadd.s32 s25, s0  }
0x1a: {  	[tilespmem:s26], [sflag:$0x2] =	stream.linear.gather [hbm4b:s1+s20], $0x1980, $0x38;
	[tilespmem:$0x13A00] =	vst v63  }
0x1b: {  	_ =	swait.ge [sflag:s11], $0x1980  }
0x1c: {  	[sflag:s11] =	ssyncset.done $0x0  }
0x1d: {  	[sflag:s11] =	ssyncadd.s32 $0xFFFFE680  }
0x1e: {  	s28 =	rddreg [dreg:$0x1]  }
0x1f: {  	s29 =	simm.s32 $0x3B00;
	s1 =	sadd.s32 s28, s0  }
0x20: {  	[tilespmem:s29], [sflag:$0x2] =	stream.linear.gather [hbm4b:s1+s20], $0x1980, $0x38;
	[tilespmem:$0x13A00] =	vst v63  }
0x21: {  	_ =	swait.ge [sflag:s11], $0x1980  }
0x22: {  	[sflag:s11] =	ssyncset.done $0x0  }
0x23: {  	[sflag:s11] =	ssyncadd.s32 $0xFFFFE680  }
0x24: {  	s30 =	rddreg [dreg:$0x2]  }
0x25: {  	s31 =	simm.s32 $0x5480;
	s0 =	sadd.s32 s30, s0  }
0x26: {  	[tilespmem:s31], [sflag:$0x2] =	stream.linear.gather [hbm4b:s0+s20], $0x1980, $0x38;
	[tilespmem:$0x13A00] =	vst v63  }
0x27: {  	_ =	swait.ge [sflag:s11], $0x1980  }
0x28: {  	[sflag:s11] =	ssyncset.done $0x0  }
0x29: {  	s2 =	simm.s32 $0x0;
	[sflag:s11] =	ssyncadd.s32 $0xFFFFE680  }
0x2a: {  	v0 =	vld [tilespmem:s2+$0x5480];
	_ =	sdelay $0x4  }
0x2b: {  	v0 =	vmul.f32 $1.442695020e+00, v0  }
0x2c: {  	s0 =	simm.s32 $0x10  }
0x2d: {  	v1 =	vld [tilespmem:s0+$0x5480];
	(erf) = vpow2.f32 v0;
	_ =	sdelay $0x3  }
0x2e: {  	s1 =	simm.s32 $0x20  }
0x2f: {  	v0 =	vmul.f32 $1.442695020e+00, v1;
	v1 =	vld [tilespmem:s1+$0x5480];
	_ =	sdelay $0x1  }
0x30: {  	(erf) = vpow2.f32 v0;
	_ =	sdelay $0x1  }
0x31: {  	v0 =	vpop (erf)  }
0x32: {  	v2 =	vmul.f32 $1.442695020e+00, v1;
	v0 =	vmax.f32 v0, $5.000000000e-01  }
0x33: {  	s3 =	simm.s32 $0x30;
	v0 =	vmin.f32 v0, $5.000000000e+01  }
0x34: {  	(erf) = vpow2.f32 v2;
	v2 =	vld [tilespmem:s3+$0x5480];
	v3 =	vsub.f32 $0.0e+00, v0;
	_ =	sdelay $0x2  }
0x35: {  	v1 =	vld [tilespmem:s2+$0x3B00]  }
0x36: {  	s4 =	simm.s32 $0x100;
	[tilespmem:s2+$0x3B00] =	vst v3;
	v3 =	vpop (erf)  }
.LBB2_3:
0x37: {  	s5 =	sshra.s32 s4, $0x2;
	p0 =	sne.s32 s4, $0x65C0;
	s4 =	sadd.s32 $0x40, s4;
	v4 =	vmul.f32 $1.442695020e+00, v2;
	v3 =	vmax.f32 v3, $5.000000000e-01  }
.Ltmp0:
0x38: {  	s6 =	smov.u32 s3;
	v2 =	vld [tilespmem:s5+$0x5480];
	v3 =	vmin.f32 v3, $5.000000000e+01;
	s3 =	smov.u32 s5;
	(pc) =	sbr.rel @p0 .LBB2_3-.Ltmp0, $4  }
0x39: {  	(erf) = vpow2.f32 v4;
	v4 =	vsub.f32 $0.0e+00, v3  }
0x3a: {  	v5 =	vmul.f32 v0, v1;
	v0 =	vmov v3  }
0x3b: {  	v1 =	vld [tilespmem:s0+$0x3B00];
	[tilespmem:s0+$0x3B00] =	vst v4  }
0x3c: {  	v3 =	vpop (erf);
	[tilespmem:s2+$0x5480] =	vst v5;
	s2 =	smov.u32 s0;
	s0 =	smov.u32 s1;
	s1 =	smov.u32 s6  }
0x3d: {  	v2 =	vmul.f32 $1.442695020e+00, v2;
	_ =	sdelay $0x1  }
0x3e: {  	(erf) = vpow2.f32 v2;
	_ =	sdelay $0x3  }
0x3f: {  	v2 =	vmax.f32 v3, $5.000000000e-01;
	v3 =	vld [tilespmem:s0+$0x3B00]  }
0x40: {  	v4 =	vpop (erf)  }
0x41: {  	v6 =	vld [tilespmem:s1+$0x3B00];
	v4 =	vmax.f32 v4, $5.000000000e-01  }
0x42: {  	v2 =	vmin.f32 v2, $5.000000000e+01;
	v0 =	vmul.f32 v0, v1  }
0x43: {  	v7 =	vld [tilespmem:s3+$0x3B00];
	v5 =	vsub.f32 $0.0e+00, v2  }
0x44: {  	[tilespmem:s2+$0x5480] =	vst v0;
	v1 =	vmin.f32 v4, $5.000000000e+01;
	v0 =	vmul.f32 v2, v3;
	v4 =	vpop (erf)  }
0x45: {  	[tilespmem:s0+$0x3B00] =	vst v5;
	v5 =	vsub.f32 $0.0e+00, v1;
	v4 =	vmax.f32 v4, $5.000000000e-01  }
0x46: {  	[tilespmem:s0+$0x5480] =	vst v0;
	v0 =	vmul.f32 v1, v6;
	v2 =	vmin.f32 v4, $5.000000000e+01  }
0x47: {  	[tilespmem:s1+$0x3B00] =	vst v5;
	v3 =	vsub.f32 $0.0e+00, v2  }
0x48: {  	[tilespmem:s1+$0x5480] =	vst v0;
	v1 =	vmul.f32 v2, v7  }
0x49: {  	[tilespmem:s3+$0x3B00] =	vst v3  }
0x4a: {  	s15 =	simm.s32 $0x800;
	[tilespmem:s3+$0x5480] =	vst v1  }
0x4b: {  	s16 =	simm.s32 $0x2180;
	v33 =	vld [tilespmem:s15+$0x0]  }
0x4c: {  	v32 =	vld [tilespmem:s16+$0x0];
	_ =	sdelay $0x6  }
0x4d: {  	v0 =	vld.idx.msk [tilespmem:v33+s7+$0x0], $0xffff  }
0x4e: {  	v1 =	vld.idx.msk [tilespmem:v32+s7+$0x0], $0xffff  }
0x4f: {  	s17 =	simm.s32 $0x3B00  }
0x50: {  	v35 =	vld [tilespmem:s17+$0x0]  }
0x51: {  	s18 =	simm.s32 $0x5480  }
0x52: {  	v34 =	vld [tilespmem:s18+$0x0]  }
0x53: {  	v0 =	vsub.f32 v0, v1;
	_ =	sdelay $0x1  }
0x54: {  	v0 =	vmul.f32 v0, v35;
	_ =	sdelay $0x1  }
0x55: {  	v0 =	vadd.f32 v0, v34;
	_ =	sdelay $0x1  }
0x56: {  	v0 =	vmul.f32 $1.442695020e+00, v0;
	_ =	sdelay $0x1  }
0x57: {  	(erf) = vpow2.f32 v0;
	_ =	sdelay $0x3  }
0x58: {  	s22 =	simm.s32 $0x2190  }
0x59: {  	s21 =	simm.s32 $0x810;
	v36 =	vld [tilespmem:s22+$0x0]  }
0x5a: {  	v39 =	vld [tilespmem:s21+$0x0];
	_ =	sdelay $0x2  }
0x5b: {  	v0 =	vpop (erf)  }
0x5c: {  	v0 =	vadd.f32 $1.000000000e+00, v0;
	_ =	sdelay $0x1  }
0x5d: {  	(erf) = vrcp.f32 v0  }
0x5e: {  	v1 =	vld.idx.msk [tilespmem:v36+s7+$0x0], $0xffff  }
0x5f: {  	v0 =	vld.idx.msk [tilespmem:v39+s7+$0x0], $0xffff  }
0x60: {  	s23 =	simm.s32 $0x3B10  }
0x61: {  	v38 =	vld [tilespmem:s23+$0x0]  }
0x62: {  	s24 =	simm.s32 $0x5490  }
0x63: {  	v37 =	vld [tilespmem:s24+$0x0];
	v2 =	vadd.s32 $0x100, v33  }
0x64: {  	v3 =	vadd.s32 $0x100, v32;
	v0 =	vsub.f32 v0, v1  }
0x65: {  	s25 =	sand.u32 $0x70, s20;
	s26 =	sand.u32 $0xFC00, s20  }
0x66: {  	s2 =	sor.u32 s25, s26;
	v0 =	vmul.f32 v0, v38;
	v1 =	vpop (erf)  }
0x67: {  	[tilespmem:s2+$0x6E00] =	vst v1  }
0x68: {  	v0 =	vadd.f32 v0, v37;
	v1 =	vld.idx.msk [tilespmem:v2+s7+$0x0], $0xffff  }
0x69: {  	v2 =	vld.idx.msk [tilespmem:v3+s7+$0x0], $0xffff  }
0x6a: {  	v0 =	vmul.f32 $1.442695020e+00, v0;
	_ =	sdelay $0x1  }
0x6b: {  	(erf) = vpow2.f32 v0;
	_ =	sdelay $0x1  }
0x6c: {  	v0 =	vsub.f32 v1, v2;
	_ =	sdelay $0x1  }
0x6d: {  	v0 =	vmul.f32 v0, v35  }
0x6e: {  	s1 =	simm.s32 $0x820  }
0x6f: {  	s3 =	simm.s32 $0x21A0;
	v30 =	vld [tilespmem:s1+$0x0];
	v0 =	vadd.f32 v0, v34  }
0x70: {  	v31 =	vld [tilespmem:s3+$0x0]  }
0x71: {  	v0 =	vmul.f32 $1.442695020e+00, v0  }
0x72: {  	v1 =	vpop (erf)  }
0x73: {  	v1 =	vadd.f32 $1.000000000e+00, v1;
	(erf) = vpow2.f32 v0;
	_ =	sdelay $0x1  }
0x74: {  	(erf) = vrcp.f32 v1;
	_ =	sdelay $0x1  }
0x75: {  	v0 =	vld.idx.msk [tilespmem:v30+s7+$0x0], $0xffff  }
0x76: {  	v1 =	vld.idx.msk [tilespmem:v31+s7+$0x0], $0xffff  }
0x77: {  	s4 =	simm.s32 $0x3B20  }
0x78: {  	v25 =	vld [tilespmem:s4+$0x0]  }
0x79: {  	s5 =	simm.s32 $0x54A0;
	v2 =	vadd.s32 $0x100, v39  }
0x7a: {  	s6 =	simm.s32 $0x10;
	v24 =	vld [tilespmem:s5+$0x0];
	s21 =	simm.s32 $0x80;
	v3 =	vadd.s32 $0x100, v36;
	v4 =	vpop (erf)  }
0x7b: {  	s0 =	sand.u32 $0x70, s6;
	s8 =	sand.u32 $0xFC00, s21;
	v0 =	vsub.f32 v0, v1;
	v1 =	vadd.f32 $1.000000000e+00, v4  }
0x7c: {  	s0 =	sor.u32 s0, s8;
	v4 =	vpop (erf)  }
0x7d: {  	v0 =	vmul.f32 v0, v25;
	[tilespmem:s0+$0x6E00] =	vst v4;
	(erf) = vrcp.f32 v1  }
0x7e: {  	v1 =	vld.idx.msk [tilespmem:v2+s7+$0x0], $0xffff  }
0x7f: {  	v0 =	vadd.f32 v0, v24;
	v2 =	vld.idx.msk [tilespmem:v3+s7+$0x0], $0xffff;
	_ =	sdelay $0x1  }
0x80: {  	v0 =	vmul.f32 $1.442695020e+00, v0;
	_ =	sdelay $0x1  }
0x81: {  	(erf) = vpow2.f32 v0;
	v0 =	vadd.s32 $0x200, v33  }
0x82: {  	v3 =	vadd.s32 $0x200, v32;
	v1 =	vsub.f32 v1, v2  }
0x83: {  	s9 =	simm.s32 $0x830  }
0x84: {  	s10 =	simm.s32 $0x21B0;
	v21 =	vld [tilespmem:s9+$0x0];
	v1 =	vmul.f32 v1, v38;
	v2 =	vpop (erf)  }
0x85: {  	v23 =	vld [tilespmem:s10+$0x0];
	[tilespmem:s2+$0x6E80] =	vst v2  }
0x86: {  	v1 =	vadd.f32 v1, v37;
	v0 =	vld.idx.msk [tilespmem:v0+s7+$0x0], $0xffff  }
0x87: {  	v2 =	vld.idx.msk [tilespmem:v3+s7+$0x0], $0xffff  }
0x88: {  	v1 =	vmul.f32 $1.442695020e+00, v1;
	_ =	sdelay $0x1  }
0x89: {  	v3 =	vpop (erf);
	(erf) = vpow2.f32 v1  }
0x8a: {  	v3 =	vadd.f32 $1.000000000e+00, v3  }
0x8b: {  	v0 =	vsub.f32 v0, v2  }
0x8c: {  	(erf) = vrcp.f32 v3  }
0x8d: {  	v1 =	vld.idx.msk [tilespmem:v21+s7+$0x0], $0xffff;
	v0 =	vmul.f32 v0, v35  }
0x8e: {  	v2 =	vld.idx.msk [tilespmem:v23+s7+$0x0], $0xffff  }
0x8f: {  	s12 =	simm.s32 $0x3B30;
	v0 =	vadd.f32 v0, v34  }
0x90: {  	v17 =	vld [tilespmem:s12+$0x0]  }
0x91: {  	s13 =	simm.s32 $0x54B0;
	v0 =	vmul.f32 $1.442695020e+00, v0  }
0x92: {  	v15 =	vld [tilespmem:s13+$0x0];
	v4 =	vadd.s32 $0x100, v31;
	v3 =	vadd.s32 $0x100, v30;
	v5 =	vpop (erf)  }
0x93: {  	s14 =	simm.s32 $0x20;
	s22 =	simm.s32 $0x100;
	v1 =	vsub.f32 v1, v2;
	v2 =	vadd.f32 $1.000000000e+00, v5;
	(erf) = vpow2.f32 v0  }
0x94: {  	s1 =	sand.u32 $0x70, s14;
	s15 =	sand.u32 $0xFC00, s22  }
0x95: {  	s10 =	sor.u32 s1, s15;
	v1 =	vmul.f32 v1, v17;
	(erf) = vrcp.f32 v2;
	v0 =	vpop (erf)  }
0x96: {  	[tilespmem:s10+$0x6E00] =	vst v0  }
0x97: {  	v1 =	vadd.f32 v1, v15;
	v0 =	vld.idx.msk [tilespmem:v3+s7+$0x0], $0xffff  }
0x98: {  	v2 =	vld.idx.msk [tilespmem:v4+s7+$0x0], $0xffff  }
0x99: {  	v1 =	vmul.f32 $1.442695020e+00, v1;
	_ =	sdelay $0x1  }
0x9a: {  	(erf) = vpow2.f32 v1;
	v1 =	vadd.s32 $0x200, v39  }
0x9b: {  	v3 =	vadd.s32 $0x200, v36;
	v4 =	vpop (erf)  }
0x9c: {  	s16 =	simm.s32 $0x840;
	v0 =	vsub.f32 v0, v2;
	v2 =	vadd.f32 $1.000000000e+00, v4  }
0x9d: {  	s17 =	simm.s32 $0x21C0;
	v14 =	vld [tilespmem:s16+$0x0];
	v4 =	vpop (erf)  }
0x9e: {  	v16 =	vld [tilespmem:s17+$0x0];
	v0 =	vmul.f32 v0, v25;
	[tilespmem:s0+$0x6E80] =	vst v4;
	(erf) = vrcp.f32 v2  }
0x9f: {  	v1 =	vld.idx.msk [tilespmem:v1+s7+$0x0], $0xffff  }
0xa0: {  	v2 =	vld.idx.msk [tilespmem:v3+s7+$0x0], $0xffff;
	v0 =	vadd.f32 v0, v24;
	_ =	sdelay $0x1  }
0xa1: {  	v0 =	vmul.f32 $1.442695020e+00, v0  }
0xa2: {  	v3 =	vpop (erf)  }
0xa3: {  	v3 =	vadd.f32 $1.000000000e+00, v3;
	(erf) = vpow2.f32 v0;
	v0 =	vadd.s32 $0x300, v33  }
0xa4: {  	v1 =	vsub.f32 v1, v2;
	v2 =	vadd.s32 $0x300, v32  }
0xa5: {  	(erf) = vrcp.f32 v3  }
0xa6: {  	v5 =	vld.idx.msk [tilespmem:v16+s7+$0x0], $0xffff;
	v1 =	vmul.f32 v1, v38;
	v4 =	vpop (erf)  }
0xa7: {  	v3 =	vld.idx.msk [tilespmem:v14+s7+$0x0], $0xffff;
	[tilespmem:s2+$0x6F00] =	vst v4  }
0xa8: {  	v1 =	vadd.f32 v1, v37;
	v0 =	vld.idx.msk [tilespmem:v0+s7+$0x0], $0xffff  }
0xa9: {  	s18 =	simm.s32 $0x3B40;
	v2 =	vld.idx.msk [tilespmem:v2+s7+$0x0], $0xffff  }
0xaa: {  	v7 =	vld [tilespmem:s18+$0x0];
	v1 =	vmul.f32 $1.442695020e+00, v1  }
0xab: {  	s23 =	simm.s32 $0x54C0;
	v4 =	vadd.s32 $0x100, v21  }
0xac: {  	s24 =	simm.s32 $0x30;
	v6 =	vld [tilespmem:s23+$0x0];
	s23 =	simm.s32 $0x180;
	v8 =	vadd.s32 $0x100, v23;
	v9 =	vpop (erf)  }
0xad: {  	s25 =	sand.u32 $0x70, s24;
	s26 =	sand.u32 $0xFC00, s23;
	v3 =	vsub.f32 v3, v5;
	(erf) = vpow2.f32 v1;
	v5 =	vadd.f32 $1.000000000e+00, v9  }
0xae: {  	s1 =	sor.u32 s25, s26;
	v1 =	vpop (erf);
	v0 =	vsub.f32 v0, v2  }
0xaf: {  	v3 =	vmul.f32 v3, v7;
	[tilespmem:s1+$0x6E00] =	vst v1;
	(erf) = vrcp.f32 v5  }
0xb0: {  	v1 =	vld.idx.msk [tilespmem:v4+s7+$0x0], $0xffff;
	v0 =	vmul.f32 v0, v35  }
0xb1: {  	v2 =	vadd.f32 v3, v6;
	v3 =	vld.idx.msk [tilespmem:v8+s7+$0x0], $0xffff  }
0xb2: {  	v0 =	vadd.f32 v0, v34  }
0xb3: {  	v2 =	vmul.f32 $1.442695020e+00, v2  }
0xb4: {  	v0 =	vmul.f32 $1.442695020e+00, v0  }
0xb5: {  	(erf) = vpow2.f32 v2;
	v2 =	vadd.s32 $0x200, v30  }
0xb6: {  	v4 =	vadd.s32 $0x200, v31;
	v5 =	vpop (erf);
	v1 =	vsub.f32 v1, v3  }
0xb7: {  	s4 =	simm.s32 $0x850;
	v3 =	vadd.f32 $1.000000000e+00, v5  }
0xb8: {  	s5 =	simm.s32 $0x21D0;
	v9 =	vld [tilespmem:s4+$0x0];
	(erf) = vpow2.f32 v0;
	v1 =	vmul.f32 v1, v17;
	v0 =	vpop (erf)  }
0xb9: {  	v5 =	vld [tilespmem:s5+$0x0];
	(erf) = vrcp.f32 v3;
	[tilespmem:s10+$0x6E80] =	vst v0  }
0xba: {  	v1 =	vadd.f32 v1, v15;
	v0 =	vld.idx.msk [tilespmem:v2+s7+$0x0], $0xffff  }
0xbb: {  	v2 =	vld.idx.msk [tilespmem:v4+s7+$0x0], $0xffff  }
0xbc: {  	v1 =	vmul.f32 $1.442695020e+00, v1;
	_ =	sdelay $0x1  }
0xbd: {  	v3 =	vpop (erf);
	(erf) = vpow2.f32 v1  }
0xbe: {  	v1 =	vadd.f32 $1.000000000e+00, v3;
	v3 =	vadd.s32 $0x300, v39  }
0xbf: {  	v0 =	vsub.f32 v0, v2  }
0xc0: {  	v10 =	vld.idx.msk [tilespmem:v5+s7+$0x0], $0xffff;
	(erf) = vrcp.f32 v1;
	v2 =	vadd.s32 $0x300, v36;
	v4 =	vpop (erf)  }
0xc1: {  	s6 =	simm.s32 $0x3B50;
	v1 =	vadd.f32 $1.000000000e+00, v4;
	v4 =	vld.idx.msk [tilespmem:v9+s7+$0x0], $0xffff;
	v8 =	vpop (erf);
	v0 =	vmul.f32 v0, v25  }
0xc2: {  	[tilespmem:s0+$0x6F00] =	vst v8;
	v8 =	vld [tilespmem:s6+$0x0]  }
0xc3: {  	s8 =	simm.s32 $0x54D0;
	(erf) = vrcp.f32 v1;
	v1 =	vld.idx.msk [tilespmem:v3+s7+$0x0], $0xffff;
	v0 =	vadd.f32 v0, v24  }
0xc4: {  	v3 =	vld [tilespmem:s8+$0x0]  }
0xc5: {  	v2 =	vld.idx.msk [tilespmem:v2+s7+$0x0], $0xffff;
	v0 =	vmul.f32 $1.442695020e+00, v0  }
0xc6: {  	v11 =	vadd.s32 $0x100, v14;
	v13 =	vpop (erf);
	v4 =	vsub.f32 v4, v10  }
0xc7: {  	s9 =	simm.s32 $0x40;
	s24 =	simm.s32 $0x200;
	v12 =	vadd.s32 $0x100, v16;
	v10 =	vadd.f32 $1.000000000e+00, v13;
	(erf) = vpow2.f32 v0  }
0xc8: {  	s3 =	sand.u32 $0x70, s9;
	s4 =	sand.u32 $0xFC00, s24;
	v4 =	vmul.f32 v4, v8  }
0xc9: {  	s30 =	sor.u32 s3, s4;
	v13 =	vadd.s32 $0x400, v33;
	(erf) = vrcp.f32 v10;
	v0 =	vpop (erf)  }
0xca: {  	v10 =	vadd.s32 $0x400, v32;
	[tilespmem:s30+$0x6E00] =	vst v0;
	v0 =	vsub.f32 v1, v2;
	v2 =	vadd.f32 v4, v3  }
0xcb: {  	v1 =	vld.idx.msk [tilespmem:v11+s7+$0x0], $0xffff  }
0xcc: {  	v4 =	vpop (erf);
	v11 =	vld.idx.msk [tilespmem:v12+s7+$0x0], $0xffff;
	v0 =	vmul.f32 v0, v38;
	v2 =	vmul.f32 $1.442695020e+00, v2  }
0xcd: {  	[tilespmem:s2+$0x6F80] =	vst v4  }
0xce: {  	v4 =	vld.idx.msk [tilespmem:v13+s7+$0x0], $0xffff;
	v0 =	vadd.f32 v0, v37  }
0xcf: {  	v12 =	vadd.s32 $0x200, v21;
	v10 =	vld.idx.msk [tilespmem:v10+s7+$0x0], $0xffff;
	(erf) = vpow2.f32 v2  }
0xd0: {  	v13 =	vadd.s32 $0x200, v23;
	v0 =	vmul.f32 $1.442695020e+00, v0;
	v2 =	vpop (erf)  }
0xd1: {  	s13 =	simm.s32 $0x21E0;
	v1 =	vsub.f32 v1, v11;
	v11 =	vadd.f32 $1.000000000e+00, v2  }
0xd2: {  	s12 =	simm.s32 $0x860;
	v18 =	vpop (erf);
	v2 =	vld [tilespmem:s13+$0x0];
	(erf) = vpow2.f32 v0  }
0xd3: {  	v0 =	vld [tilespmem:s12+$0x0];
	v1 =	vmul.f32 v1, v7;
	[tilespmem:s1+$0x6E80] =	vst v18;
	(erf) = vrcp.f32 v11  }
0xd4: {  	v4 =	vsub.f32 v4, v10;
	v11 =	vld.idx.msk [tilespmem:v12+s7+$0x0], $0xffff  }
0xd5: {  	v10 =	vld.idx.msk [tilespmem:v13+s7+$0x0], $0xffff;
	v1 =	vadd.f32 v1, v6  }
0xd6: {  	v4 =	vmul.f32 v4, v35  }
0xd7: {  	v1 =	vmul.f32 $1.442695020e+00, v1  }
0xd8: {  	v4 =	vadd.f32 v4, v34;
	v12 =	vpop (erf)  }
0xd9: {  	v12 =	vadd.f32 $1.000000000e+00, v12;
	(erf) = vpow2.f32 v1;
	v1 =	vadd.s32 $0x300, v30  }
0xda: {  	v13 =	vadd.s32 $0x300, v31;
	v4 =	vmul.f32 $1.442695020e+00, v4;
	v10 =	vsub.f32 v11, v10  }
0xdb: {  	(erf) = vrcp.f32 v12;
	v11 =	vpop (erf)  }
0xdc: {  	v12 =	vld.idx.msk [tilespmem:v0+s7+$0x0], $0xffff;
	(erf) = vpow2.f32 v4;
	v4 =	vmul.f32 v10, v17;
	v18 =	vpop (erf)  }
0xdd: {  	v10 =	vadd.f32 $1.000000000e+00, v11;
	v11 =	vld.idx.msk [tilespmem:v2+s7+$0x0], $0xffff;
	[tilespmem:s10+$0x6F00] =	vst v18  }
0xde: {  	v4 =	vadd.f32 v4, v15;
	v18 =	vld.idx.msk [tilespmem:v1+s7+$0x0], $0xffff  }
0xdf: {  	s14 =	simm.s32 $0x3B60;
	(erf) = vrcp.f32 v10;
	v10 =	vld.idx.msk [tilespmem:v13+s7+$0x0], $0xffff  }
0xe0: {  	v1 =	vld [tilespmem:s14+$0x0];
	v13 =	vmul.f32 $1.442695020e+00, v4  }
0xe1: {  	s15 =	simm.s32 $0x54E0;
	v19 =	vadd.s32 $0x100, v9  }
0xe2: {  	s16 =	simm.s32 $0x50;
	s25 =	simm.s32 $0x280;
	v20 =	vadd.s32 $0x100, v5;
	v4 =	vld [tilespmem:s15+$0x0];
	v22 =	vpop (erf)  }
0xe3: {  	s17 =	sand.u32 $0x70, s16;
	s18 =	sand.u32 $0xFC00, s25;
	v11 =	vsub.f32 v12, v11;
	v12 =	vadd.f32 $1.000000000e+00, v22  }
0xe4: {  	s31 =	sor.u32 s17, s18;
	(erf) = vpow2.f32 v13;
	v13 =	vpop (erf)  }
0xe5: {  	v22 =	vadd.s32 $0x400, v39;
	v11 =	vmul.f32 v11, v1;
	[tilespmem:s31+$0x6E00] =	vst v13  }
0xe6: {  	v10 =	vsub.f32 v18, v10;
	(erf) = vrcp.f32 v12;
	v13 =	vadd.s32 $0x400, v36;
	v18 =	vld.idx.msk [tilespmem:v19+s7+$0x0], $0xffff  }
0xe7: {  	v11 =	vadd.f32 v11, v4;
	v19 =	vld.idx.msk [tilespmem:v20+s7+$0x0], $0xffff;
	v12 =	vpop (erf)  }
0xe8: {  	v12 =	vadd.f32 $1.000000000e+00, v12;
	v20 =	vpop (erf)  }
0xe9: {  	v10 =	vmul.f32 v10, v25;
	v11 =	vmul.f32 $1.442695020e+00, v11;
	[tilespmem:s0+$0x6F80] =	vst v20  }
0xea: {  	(erf) = vrcp.f32 v12;
	v12 =	vld.idx.msk [tilespmem:v22+s7+$0x0], $0xffff  }
0xeb: {  	v10 =	vadd.f32 v10, v24;
	v13 =	vld.idx.msk [tilespmem:v13+s7+$0x0], $0xffff;
	(erf) = vpow2.f32 v11  }
0xec: {  	v20 =	vadd.s32 $0x200, v14;
	v18 =	vsub.f32 v18, v19  }
0xed: {  	v10 =	vmul.f32 $1.442695020e+00, v10;
	v22 =	vadd.s32 $0x200, v16;
	v11 =	vpop (erf)  }
0xee: {  	s4 =	simm.s32 $0x21F0;
	v19 =	vadd.f32 $1.000000000e+00, v11;
	v18 =	vmul.f32 v18, v8  }
0xef: {  	s26 =	simm.s32 $0x870;
	v27 =	vadd.s32 $0x500, v33;
	(erf) = vpow2.f32 v10;
	v10 =	vld [tilespmem:s4+$0x0];
	v26 =	vpop (erf)  }
0xf0: {  	v11 =	vld [tilespmem:s26+$0x0];
	(erf) = vrcp.f32 v19;
	[tilespmem:s30+$0x6E80] =	vst v26;
	v12 =	vsub.f32 v12, v13;
	v13 =	vadd.f32 v18, v3  }
0xf1: {  	v19 =	vadd.s32 $0x500, v32;
	v20 =	vld.idx.msk [tilespmem:v20+s7+$0x0], $0xffff  }
0xf2: {  	v18 =	vld.idx.msk [tilespmem:v22+s7+$0x0], $0xffff;
	v13 =	vmul.f32 $1.442695020e+00, v13  }
0xf3: {  	v12 =	vmul.f32 v12, v38;
	v22 =	vpop (erf)  }
0xf4: {  	[tilespmem:s2+$0x7000] =	vst v22;
	v26 =	vpop (erf);
	(erf) = vpow2.f32 v13  }
0xf5: {  	v12 =	vadd.f32 v12, v37;
	v22 =	vld.idx.msk [tilespmem:v27+s7+$0x0], $0xffff;
	v26 =	vadd.f32 $1.000000000e+00, v26  }
0xf6: {  	v13 =	vadd.s32 $0x300, v21;
	v19 =	vld.idx.msk [tilespmem:v19+s7+$0x0], $0xffff  }
0xf7: {  	v12 =	vmul.f32 $1.442695020e+00, v12;
	v18 =	vsub.f32 v20, v18  }
0xf8: {  	v29 =	vld.idx.msk [tilespmem:v10+s7+$0x0], $0xffff;
	v27 =	vadd.s32 $0x300, v23;
	v28 =	vpop (erf);
	(erf) = vrcp.f32 v26  }
0xf9: {  	v20 =	vld.idx.msk [tilespmem:v11+s7+$0x0], $0xffff;
	v28 =	vadd.f32 $1.000000000e+00, v28;
	(erf) = vpow2.f32 v12;
	v12 =	vmul.f32 v18, v7;
	v26 =	vpop (erf)  }
0xfa: {  	[tilespmem:s1+$0x6F00] =	vst v26  }
0xfb: {  	s5 =	simm.s32 $0x3B70;
	(erf) = vrcp.f32 v28;
	v18 =	vld.idx.msk [tilespmem:v13+s7+$0x0], $0xffff;
	v13 =	vsub.f32 v22, v19;
	v19 =	vadd.f32 v12, v6  }
0xfc: {  	v12 =	vld [tilespmem:s5+$0x0]  }
0xfd: {  	s6 =	simm.s32 $0x54F0;
	v22 =	vld.idx.msk [tilespmem:v27+s7+$0x0], $0xffff;
	v26 =	vmul.f32 v13, v35;
	v19 =	vmul.f32 $1.442695020e+00, v19;
	v40 =	vpop (erf)  }
0xfe: {  	v20 =	vsub.f32 v20, v29;
	v27 =	vadd.s32 $0x100, v0;
	v13 =	vld [tilespmem:s6+$0x0];
	v29 =	vadd.f32 $1.000000000e+00, v40  }
0xff: {  	s8 =	simm.s32 $0x60;
	s26 =	simm.s32 $0x300;
	v28 =	vadd.s32 $0x100, v2;
	v26 =	vadd.f32 v26, v34;
	(erf) = vpow2.f32 v19  }
0x100: {  	s3 =	sand.u32 $0x70, s8;
	s9 =	sand.u32 $0xFC00, s26  }
0x101: {  	s4 =	sor.u32 s3, s9;
	v19 =	vadd.s32 $0x400, v30;
	v50 =	vpop (erf);
	v20 =	vmul.f32 v20, v12;
	v26 =	vmul.f32 $1.442695020e+00, v26  }
0x102: {  	(erf) = vrcp.f32 v29;
	v18 =	vsub.f32 v18, v22;
	v22 =	vadd.s32 $0x400, v31;
	[tilespmem:s4+$0x6E00] =	vst v50;
	v29 =	vpop (erf)  }
0x103: {  	v20 =	vadd.f32 v20, v13;
	(erf) = vpow2.f32 v26;
	v26 =	vld.idx.msk [tilespmem:v27+s7+$0x0], $0xffff;
	v27 =	vadd.f32 $1.000000000e+00, v29  }
0x104: {  	v18 =	vmul.f32 v18, v17;
	v28 =	vld.idx.msk [tilespmem:v28+s7+$0x0], $0xffff;
	v29 =	vpop (erf)  }
0x105: {  	[tilespmem:s10+$0x6F80] =	vst v29;
	v20 =	vmul.f32 $1.442695020e+00, v20;
	(erf) = vrcp.f32 v27  }
0x106: {  	v18 =	vadd.f32 v18, v15;
	v27 =	vld.idx.msk [tilespmem:v19+s7+$0x0], $0xffff  }
0x107: {  	v22 =	vld.idx.msk [tilespmem:v22+s7+$0x0], $0xffff;
	(erf) = vpow2.f32 v20  }
0x108: {  	v20 =	vadd.s32 $0x200, v9;
	v18 =	vmul.f32 $1.442695020e+00, v18;
	v19 =	vpop (erf)  }
0x109: {  	v29 =	vadd.s32 $0x200, v5;
	v26 =	vsub.f32 v26, v28;
	v28 =	vadd.f32 $1.000000000e+00, v19  }
0x10a: {  	s12 =	simm.s32 $0x880;
	(erf) = vpow2.f32 v18  }
0x10b: {  	v41 =	vadd.s32 $0x500, v39;
	s13 =	simm.s32 $0x2200;
	v18 =	vld [tilespmem:s12+$0x0];
	v51 =	vpop (erf);
	v26 =	vmul.f32 v26, v1  }
0x10c: {  	v52 =	vadd.s32 $0x500, v36;
	v19 =	vld [tilespmem:s13+$0x0];
	[tilespmem:s31+$0x6E80] =	vst v51;
	v22 =	vsub.f32 v27, v22  }
0x10d: {  	(erf) = vrcp.f32 v28;
	v20 =	vld.idx.msk [tilespmem:v20+s7+$0x0], $0xffff;
	v26 =	vadd.f32 v26, v4;
	v28 =	vpop (erf)  }
0x10e: {  	v22 =	vmul.f32 v22, v25;
	v27 =	vadd.f32 $1.000000000e+00, v28;
	v28 =	vld.idx.msk [tilespmem:v29+s7+$0x0], $0xffff;
	v29 =	vpop (erf)  }
0x10f: {  	v26 =	vmul.f32 $1.442695020e+00, v26;
	[tilespmem:s0+$0x7000] =	vst v29  }
0x110: {  	v22 =	vadd.f32 v22, v24;
	v29 =	vpop (erf);
	(erf) = vrcp.f32 v27;
	v27 =	vld.idx.msk [tilespmem:v41+s7+$0x0], $0xffff  }
0x111: {  	v40 =	vld.idx.msk [tilespmem:v52+s7+$0x0], $0xffff;
	v29 =	vadd.f32 $1.000000000e+00, v29;
	(erf) = vpow2.f32 v26  }
0x112: {  	v22 =	vmul.f32 $1.442695020e+00, v22  }
0x113: {  	v26 =	vadd.s32 $0x300, v14;
	v53 =	vpop (erf);
	(erf) = vrcp.f32 v29;
	v28 =	vsub.f32 v20, v28  }
0x114: {  	v42 =	vadd.s32 $0x300, v16;
	v54 =	vld.idx.msk [tilespmem:v18+s7+$0x0], $0xffff  }
0x115: {  	s14 =	simm.s32 $0x5500;
	v29 =	vadd.f32 $1.000000000e+00, v53;
	(erf) = vpow2.f32 v22;
	v22 =	vmul.f32 v28, v8;
	v28 =	vld.idx.msk [tilespmem:v19+s7+$0x0], $0xffff  }
0x116: {  	v44 =	vadd.s32 $0x600, v33;
	s15 =	simm.s32 $0x3B80;
	v20 =	vld [tilespmem:s14+$0x0];
	v43 =	vpop (erf);
	v27 =	vsub.f32 v27, v40  }
0x117: {  	v55 =	vadd.s32 $0x600, v32;
	(erf) = vrcp.f32 v29;
	[tilespmem:s30+$0x6F00] =	vst v43;
	v29 =	vadd.f32 v22, v3;
	v22 =	vld [tilespmem:s15+$0x0]  }
0x118: {  	v26 =	vld.idx.msk [tilespmem:v26+s7+$0x0], $0xffff;
	v27 =	vmul.f32 v27, v38  }
0x119: {  	v57 =	vadd.s32 $0x100, v11;
	v42 =	vld.idx.msk [tilespmem:v42+s7+$0x0], $0xffff;
	v56 =	vpop (erf);
	v29 =	vmul.f32 $1.442695020e+00, v29  }
0x11a: {  	s28 =	simm.s32 $0x380;
	s16 =	simm.s32 $0x70;
	v45 =	vadd.s32 $0x100, v10;
	v27 =	vadd.f32 v27, v37;
	[tilespmem:s2+$0x7080] =	vst v56;
	v46 =	vpop (erf);
	v28 =	vsub.f32 v54, v28  }
0x11b: {  	s3 =	sand.u32 $0x70, s16;
	s5 =	sand.u32 $0xFC00, s28;
	v44 =	vld.idx.msk [tilespmem:v44+s7+$0x0], $0xffff;
	(erf) = vpow2.f32 v29;
	v29 =	vadd.f32 $1.000000000e+00, v46  }
0x11c: {  	s8 =	sor.u32 s3, s5;
	v43 =	vld.idx.msk [tilespmem:v55+s7+$0x0], $0xffff;
	v58 =	vpop (erf);
	v27 =	vmul.f32 $1.442695020e+00, v27;
	v28 =	vmul.f32 v28, v22  }
0x11d: {  	v59 =	vadd.s32 $0x400, v21;
	v47 =	vadd.s32 $0x400, v23;
	[tilespmem:s8+$0x6E00] =	vst v58;
	(erf) = vrcp.f32 v29  }
0x11e: {  	v26 =	vsub.f32 v26, v42;
	v40 =	vld.idx.msk [tilespmem:v57+s7+$0x0], $0xffff;
	(erf) = vpow2.f32 v27;
	v27 =	vadd.f32 v28, v20  }
0x11f: {  	v41 =	vld.idx.msk [tilespmem:v45+s7+$0x0], $0xffff;
	v29 =	vpop (erf)  }
0x120: {  	v26 =	vmul.f32 v26, v7;
	v29 =	vadd.f32 $1.000000000e+00, v29;
	v28 =	vpop (erf);
	v27 =	vmul.f32 $1.442695020e+00, v27  }
0x121: {  	v60 =	vsub.f32 v44, v43;
	[tilespmem:s1+$0x6F80] =	vst v28  }
0x122: {  	v26 =	vadd.f32 v26, v6;
	(erf) = vrcp.f32 v29;
	v28 =	vld.idx.msk [tilespmem:v59+s7+$0x0], $0xffff  }
0x123: {  	v63 =	vadd.s32 $0x200, v2;
	v62 =	vadd.s32 $0x200, v0;
	v29 =	vmul.f32 v60, v35;
	v61 =	vld.idx.msk [tilespmem:v47+s7+$0x0], $0xffff  }
0x124: {  	v26 =	vmul.f32 $1.442695020e+00, v26;
	v40 =	vsub.f32 v40, v41;
	(erf) = vpow2.f32 v27;
	v27 =	vpop (erf)  }
0x125: {  	s17 =	simm.s32 $0x890;
	v29 =	vadd.f32 v29, v34;
	v27 =	vadd.f32 $1.000000000e+00, v27  }
0x126: {  	s18 =	simm.s32 $0x2210;
	(erf) = vpow2.f32 v26;
	v26 =	vld [tilespmem:s17+$0x0];
	v40 =	vmul.f32 v40, v12;
	v48 =	vpop (erf)  }
0x127: {  	v29 =	vmul.f32 $1.442695020e+00, v29;
	(erf) = vrcp.f32 v27;
	v27 =	vld [tilespmem:s18+$0x0];
	[tilespmem:s4+$0x6E80] =	vst v48  }
0x128: {  	v49 =	vadd.s32 $0x500, v30;
	v50 =	vadd.s32 $0x500, v31;
	v51 =	vpop (erf);
	v28 =	vsub.f32 v28, v61;
	v52 =	vld.idx.msk [tilespmem:v62+s7+$0x0], $0xffff  }
0x129: {  	v53 =	vadd.f32 $1.000000000e+00, v51;
	(erf) = vpow2.f32 v29;
	v29 =	vadd.f32 v40, v13;
	v54 =	vld.idx.msk [tilespmem:v63+s7+$0x0], $0xffff  }
0x12a: {  	v28 =	vmul.f32 v28, v17  }
0x12b: {  	(erf) = vrcp.f32 v53;
	v29 =	vmul.f32 $1.442695020e+00, v29;
	v55 =	vpop (erf)  }
0x12c: {  	[tilespmem:s10+$0x7000] =	vst v55  }
0x12d: {  	v28 =	vadd.f32 v28, v15;
	v57 =	vpop (erf);
	(erf) = vpow2.f32 v29;
	v29 =	vadd.s32 $0x300, v9;
	v56 =	vld.idx.msk [tilespmem:v49+s7+$0x0], $0xffff  }
0x12e: {  	v41 =	vld.idx.msk [tilespmem:v50+s7+$0x0], $0xffff;
	v44 =	vadd.f32 $1.000000000e+00, v57;
	v40 =	vsub.f32 v52, v54  }
0x12f: {  	v58 =	vadd.s32 $0x300, v5;
	v28 =	vmul.f32 $1.442695020e+00, v28;
	v59 =	vpop (erf)  }
0x130: {  	v60 =	vld.idx.msk [tilespmem:v26+s7+$0x0], $0xffff;
	(erf) = vrcp.f32 v44;
	v40 =	vmul.f32 v40, v1;
	v61 =	vpop (erf)  }
0x131: {  	v62 =	vadd.s32 $0x600, v39;
	v63 =	vld.idx.msk [tilespmem:v27+s7+$0x0], $0xffff;
	(erf) = vpow2.f32 v28;
	v28 =	vadd.f32 $1.000000000e+00, v59;
	[tilespmem:s31+$0x6F00] =	vst v61  }
0x132: {  	s5 =	simm.s32 $0x3B90;
	v52 =	vadd.s32 $0x600, v36;
	v48 =	vpop (erf);
	v40 =	vadd.f32 v40, v4;
	v49 =	vld.idx.msk [tilespmem:v29+s7+$0x0], $0xffff  }
0x133: {  	v29 =	vsub.f32 v56, v41;
	(erf) = vrcp.f32 v28;
	v53 =	vadd.f32 $1.000000000e+00, v48;
	v28 =	vld [tilespmem:s5+$0x0]  }
0x134: {  	s6 =	simm.s32 $0x5510;
	v54 =	vld.idx.msk [tilespmem:v58+s7+$0x0], $0xffff;
	v55 =	vpop (erf);
	v40 =	vmul.f32 $1.442695020e+00, v40  }
0x135: {  	v56 =	vmul.f32 v29, v25;
	v29 =	vld [tilespmem:s6+$0x0];
	[tilespmem:s0+$0x7080] =	vst v55;
	(erf) = vrcp.f32 v53  }
0x136: {  	v33 =	vadd.s32 $0x700, v33;
	v42 =	vsub.f32 v60, v63;
	v45 =	vld.idx.msk [tilespmem:v62+s7+$0x0], $0xffff  }
0x137: {  	v57 =	vadd.s32 $0x100, v18;
	v50 =	vpop (erf);
	v44 =	vld.idx.msk [tilespmem:v52+s7+$0x0], $0xffff;
	(erf) = vpow2.f32 v40;
	v48 =	vadd.f32 v56, v24  }
0x138: {  	s29 =	simm.s32 $0x400;
	s9 =	simm.s32 $0x80;
	v58 =	vadd.s32 $0x100, v19;
	v59 =	vadd.f32 $1.000000000e+00, v50;
	v42 =	vmul.f32 v42, v28  }
0x139: {  	s3 =	sand.u32 $0x70, s9;
	s12 =	sand.u32 $0xFC00, s29;
	v61 =	vadd.s32 $0x400, v14;
	v43 =	vsub.f32 v49, v54;
	v60 =	vpop (erf);
	v48 =	vmul.f32 $1.442695020e+00, v48  }
0x13a: {  	s18 =	sor.u32 s3, s12;
	v63 =	vadd.s32 $0x400, v16;
	(erf) = vrcp.f32 v59;
	v62 =	vpop (erf);
	v42 =	vadd.f32 v42, v29  }
0x13b: {  	[tilespmem:s18+$0x6E00] =	vst v60;
	v43 =	vmul.f32 v43, v8;
	v52 =	vadd.f32 $1.000000000e+00, v62;
	(erf) = vpow2.f32 v48  }
0x13c: {  	v32 =	vadd.s32 $0x700, v32;
	v41 =	vld.idx.msk [tilespmem:v57+s7+$0x0], $0xffff;
	v44 =	vsub.f32 v45, v44;
	v53 =	vpop (erf)  }
0x13d: {  	v46 =	vld.idx.msk [tilespmem:v58+s7+$0x0], $0xffff;
	v54 =	vmul.f32 $1.442695020e+00, v42;
	v55 =	vadd.f32 v43, v3;
	[tilespmem:s30+$0x6F80] =	vst v53;
	(erf) = vrcp.f32 v52  }
0x13e: {  	v44 =	vmul.f32 v44, v38;
	v43 =	vld.idx.msk [tilespmem:v61+s7+$0x0], $0xffff;
	v56 =	vpop (erf)  }
0x13f: {  	v47 =	vld.idx.msk [tilespmem:v63+s7+$0x0], $0xffff;
	(erf) = vpow2.f32 v54;
	v57 =	vmul.f32 $1.442695020e+00, v55;
	[tilespmem:s2+$0x7100] =	vst v56  }
0x140: {  	v59 =	vadd.s32 $0x200, v10;
	v58 =	vadd.s32 $0x200, v11;
	v60 =	vpop (erf);
	v45 =	vld.idx.msk [tilespmem:v33+s7+$0x0], $0xffff  }
0x141: {  	v44 =	vadd.f32 v44, v37;
	v61 =	vld.idx.msk [tilespmem:v32+s7+$0x0], $0xffff;
	v63 =	vadd.f32 $1.000000000e+00, v60;
	(erf) = vpow2.f32 v57  }
0x142: {  	s13 =	simm.s32 $0x8A0;
	v62 =	vsub.f32 v41, v46  }
0x143: {  	s14 =	simm.s32 $0x2220;
	v54 =	vadd.s32 $0x500, v21;
	v33 =	vld [tilespmem:s13+$0x0];
	v52 =	vmul.f32 $1.442695020e+00, v44;
	v53 =	vpop (erf);
	(erf) = vrcp.f32 v63  }
0x144: {  	v56 =	vadd.s32 $0x500, v23;
	v32 =	vld [tilespmem:s14+$0x0];
	v55 =	vmul.f32 v62, v22;
	[tilespmem:s8+$0x6E80] =	vst v53;
	v43 =	vsub.f32 v43, v47;
	v57 =	vpop (erf)  }
0x145: {  	v42 =	vld.idx.msk [tilespmem:v58+s7+$0x0], $0xffff;
	(erf) = vpow2.f32 v52;
	v44 =	vadd.f32 $1.000000000e+00, v57  }
0x146: {  	v58 =	vadd.f32 v55, v20;
	v59 =	vld.idx.msk [tilespmem:v59+s7+$0x0], $0xffff;
	v43 =	vmul.f32 v43, v7;
	v45 =	vsub.f32 v45, v61;
	v60 =	vpop (erf)  }
0x147: {  	[tilespmem:s1+$0x7000] =	vst v60;
	(erf) = vrcp.f32 v44  }
0x148: {  	v40 =	vmul.f32 $1.442695020e+00, v58;
	v61 =	vpop (erf);
	v43 =	vadd.f32 v43, v6;
	v35 =	vmul.f32 v45, v35;
	v44 =	vld.idx.msk [tilespmem:v54+s7+$0x0], $0xffff  }
0x149: {  	v63 =	vadd.s32 $0x300, v0;
	v52 =	vadd.s32 $0x300, v2;
	v41 =	vld.idx.msk [tilespmem:v56+s7+$0x0], $0xffff;
	v62 =	vadd.f32 $1.000000000e+00, v61  }
0x14a: {  	(erf) = vpow2.f32 v40;
	v53 =	vpop (erf);
	v43 =	vmul.f32 $1.442695020e+00, v43;
	v34 =	vadd.f32 v35, v34  }
0x14b: {  	v54 =	vsub.f32 v42, v59;
	(erf) = vrcp.f32 v62;
	v55 =	vadd.f32 $1.000000000e+00, v53  }
0x14c: {  	v45 =	vld.idx.msk [tilespmem:v33+s7+$0x0], $0xffff;
	v56 =	vpop (erf);
	(erf) = vpow2.f32 v43;
	v34 =	vmul.f32 $1.442695020e+00, v34  }
0x14d: {  	v57 =	vadd.s32 $0x600, v30;
	v58 =	vld.idx.msk [tilespmem:v32+s7+$0x0], $0xffff;
	v35 =	vmul.f32 v54, v12;
	[tilespmem:s4+$0x6F00] =	vst v56;
	(erf) = vrcp.f32 v55  }
0x14e: {  	s3 =	simm.s32 $0x3BA0;
	v59 =	vadd.s32 $0x600, v31;
	v60 =	vpop (erf);
	v40 =	vld.idx.msk [tilespmem:v63+s7+$0x0], $0xffff;
	v41 =	vsub.f32 v44, v41;
	(erf) = vpow2.f32 v34  }
0x14f: {  	v62 =	vadd.f32 v35, v13;
	v35 =	vld [tilespmem:s3+$0x0];
	v61 =	vadd.f32 $1.000000000e+00, v60  }
0x150: {  	s15 =	simm.s32 $0x5520;
	v46 =	vld.idx.msk [tilespmem:v52+s7+$0x0], $0xffff;
	v41 =	vmul.f32 v41, v17;
	v63 =	vpop (erf)  }
0x151: {  	v34 =	vld [tilespmem:s15+$0x0];
	v52 =	vmul.f32 $1.442695020e+00, v62;
	(erf) = vrcp.f32 v61;
	[tilespmem:s10+$0x7080] =	vst v63  }
0x152: {  	v53 =	vadd.s32 $0x100, v26;
	v45 =	vsub.f32 v45, v58;
	v43 =	vld.idx.msk [tilespmem:v57+s7+$0x0], $0xffff  }
0x153: {  	s16 =	simm.s32 $0x90;
	s5 =	simm.s32 $0x480;
	v54 =	vadd.s32 $0x100, v27;
	v55 =	vpop (erf);
	v41 =	vadd.f32 v41, v15;
	(erf) = vpow2.f32 v52;
	v42 =	vld.idx.msk [tilespmem:v59+s7+$0x0], $0xffff  }
0x154: {  	v39 =	vadd.s32 $0x700, v39;
	s6 =	sand.u32 $0xFC00, s5;
	s2 =	sand.u32 $0x70, s16;
	v56 =	vadd.f32 $1.000000000e+00, v55;
	v45 =	vmul.f32 v45, v35;
	v57 =	vpop (erf)  }
0x155: {  	s2 =	sor.u32 s2, s6;
	v58 =	vadd.s32 $0x400, v9;
	v40 =	vsub.f32 v40, v46;
	v41 =	vmul.f32 $1.442695020e+00, v41;
	v59 =	vpop (erf)  }
0x156: {  	v60 =	vadd.s32 $0x400, v5;
	(erf) = vrcp.f32 v56;
	[tilespmem:s2+$0x6E00] =	vst v57;
	v45 =	vadd.f32 v45, v34;
	v61 =	vpop (erf)  }
0x157: {  	v40 =	vmul.f32 v40, v1;
	v46 =	vadd.f32 $1.000000000e+00, v59;
	(erf) = vpow2.f32 v41;
	v62 =	vld.idx.msk [tilespmem:v53+s7+$0x0], $0xffff;
	v63 =	vpop (erf)  }
0x158: {  	v36 =	vadd.s32 $0x700, v36;
	v49 =	vld.idx.msk [tilespmem:v54+s7+$0x0], $0xffff;
	v42 =	vsub.f32 v43, v42;
	v52 =	vadd.f32 $1.000000000e+00, v63  }
0x159: {  	[tilespmem:s31+$0x6F80] =	vst v61;
	v53 =	vmul.f32 $1.442695020e+00, v45;
	v40 =	vadd.f32 v40, v4;
	(erf) = vrcp.f32 v46  }
0x15a: {  	v54 =	vld.idx.msk [tilespmem:v58+s7+$0x0], $0xffff;
	v55 =	vpop (erf);
	v42 =	vmul.f32 v42, v25;
	(erf) = vrcp.f32 v52  }
0x15b: {  	v56 =	vld.idx.msk [tilespmem:v60+s7+$0x0], $0xffff;
	v40 =	vmul.f32 $1.442695020e+00, v40;
	[tilespmem:s0+$0x7100] =	vst v55;
	(erf) = vpow2.f32 v53  }
0x15c: {  	v57 =	vadd.s32 $0x200, v18;
	v58 =	vadd.s32 $0x200, v19;
	v59 =	vpop (erf);
	v46 =	vld.idx.msk [tilespmem:v39+s7+$0x0], $0xffff;
	v42 =	vadd.f32 v42, v24  }
0x15d: {  	v41 =	vsub.f32 v62, v49;
	v60 =	vld.idx.msk [tilespmem:v36+s7+$0x0], $0xffff;
	v39 =	vadd.f32 $1.000000000e+00, v59;
	(erf) = vpow2.f32 v40  }
0x15e: {  	s12 =	simm.s32 $0x8B0;
	v61 =	vmul.f32 $1.442695020e+00, v42  }
0x15f: {  	s13 =	simm.s32 $0x2230;
	v63 =	vadd.s32 $0x500, v14;
	v36 =	vld [tilespmem:s12+$0x0];
	v41 =	vmul.f32 v41, v28;
	v62 =	vpop (erf);
	(erf) = vrcp.f32 v39  }
0x160: {  	v52 =	vsub.f32 v54, v56;
	v54 =	vadd.s32 $0x500, v16;
	v39 =	vld [tilespmem:s13+$0x0];
	[tilespmem:s18+$0x6E80] =	vst v62;
	v53 =	vpop (erf);
	(erf) = vpow2.f32 v61  }
0x161: {  	v41 =	vadd.f32 v41, v29;
	v55 =	vld.idx.msk [tilespmem:v57+s7+$0x0], $0xffff;
	v40 =	vadd.f32 $1.000000000e+00, v53  }
0x162: {  	v42 =	vmul.f32 v52, v8;
	v47 =	vld.idx.msk [tilespmem:v58+s7+$0x0], $0xffff;
	v56 =	vpop (erf);
	v46 =	vsub.f32 v46, v60  }
0x163: {  	v41 =	vmul.f32 $1.442695020e+00, v41;
	[tilespmem:s30+$0x7000] =	vst v56;
	(erf) = vrcp.f32 v40;
	v57 =	vpop (erf)  }
0x164: {  	s17 =	sand.u32 $0x7, s20;
	v51 =	vadd.f32 v42, v3;
	v38 =	vmul.f32 v46, v38;
	v42 =	vld.idx.msk [tilespmem:v63+s7+$0x0], $0xffff;
	v58 =	vpop (erf)  }
0x165: {  	v48 =	vadd.s32 $0x300, v11;
	s0 =	sshll.u32 s17, $0x4;
	(erf) = vpow2.f32 v41;
	v41 =	vld.idx.msk [tilespmem:v54+s7+$0x0], $0xffff;
	v40 =	vadd.f32 $1.000000000e+00, v58  }
0x166: {  	v44 =	vadd.s32 $0x300, v10;
	s0 =	sadd.s32 $0x0, s0;
	v60 =	vmul.f32 $1.442695020e+00, v51;
	v59 =	vpop (erf);
	v38 =	vadd.f32 v38, v37  }
0x167: {  	s15 =	simm.s32 $0x5530;
	s0 =	sor.u32 $0x380, s0;
	v43 =	vld.idx.msk [tilespmem:v36+s7+$0x0], $0xffff;
	v61 =	vsub.f32 v55, v47;
	v62 =	vadd.f32 $1.000000000e+00, v59;
	(erf) = vrcp.f32 v40  }
0x168: {  	s16 =	simm.s32 $0xC0;
	v46 =	vadd.s32 $0x600, v21;
	[tilespmem:s0+$0x6E00] =	vst v57;
	v37 =	vld [tilespmem:s15+$0x0];
	v63 =	vpop (erf);
	v38 =	vmul.f32 $1.442695020e+00, v38;
	(erf) = vpow2.f32 v60  }
0x169: {  	s14 =	simm.s32 $0xA0;
	s6 =	simm.s32 $0xB0;
	s0 =	simm.s32 $0x480;
	v47 =	vadd.s32 $0x600, v23;
	v45 =	vld.idx.msk [tilespmem:v39+s7+$0x0], $0xffff;
	v49 =	vmul.f32 v61, v22;
	[tilespmem:s8+$0x6F00] =	vst v63;
	(erf) = vrcp.f32 v62;
	v40 =	vpop (erf)  }
.LBB2_5:
0x16a: {  	v42 =	vsub.f32 v42, v41;
	v50 =	vadd.f32 $1.000000000e+00, v40;
	(erf) = vpow2.f32 v38;
	v38 =	vmovc v12;
	v12 =	vmovc v22  }
0x16b: {  	p0 =	sne.s32 s16, $0x1970;
	v48 =	vld.idx.msk [tilespmem:v48+s7+$0x0], $0xffff;
	v22 =	vmovc v28;
	v28 =	vmovc v35;
	v41 =	vmov v39;
	v40 =	vmov v24;
	v24 =	vmov v15  }
0x16c: {  	s3 =	sadd.s32 $0x10, s3;
	v15 =	vmov v6;
	v6 =	vmov v3;
	v39 =	vadd.f32 v49, v20;
	v44 =	vld.idx.msk [tilespmem:v44+s7+$0x0], $0xffff;
	v49 =	vpop (erf)  }
0x16d: {  	v3 =	vmovc v4;
	v4 =	vmovc v13;
	v13 =	vmov v20;
	v35 =	vld [tilespmem:s3+$0x0];
	v42 =	vmul.f32 v42, v7;
	[tilespmem:s1+$0x7080] =	vst v49;
	(erf) = vrcp.f32 v50  }
0x16e: {  	v20 =	vmovc v29;
	v29 =	vmovc v34;
	v49 =	vadd.s32 $0x100, v33;
	v34 =	vmov v37;
	v51 =	vmul.f32 $1.442695020e+00, v39;
	v46 =	vld.idx.msk [tilespmem:v46+s7+$0x0], $0xffff  }
0x16f: {  	s5 =	sadd.s32 $0x80, s5;
	v37 =	vadd.s32 $0x100, v32;
	v50 =	vpop (erf);
	v42 =	vadd.f32 v42, v15;
	v47 =	vld.idx.msk [tilespmem:v47+s7+$0x0], $0xffff  }
0x170: {  	s9 =	sand.u32 $0x70, s14;
	s14 =	smov.u32 s6;
	s17 =	sand.u32 $0xFC00, s5;
	v43 =	vsub.f32 v43, v45;
	v45 =	vadd.f32 $1.000000000e+00, v50;
	(erf) = vpow2.f32 v51  }
0x171: {  	s6 =	smov.u32 s16;
	s9 =	sor.u32 s9, s17;
	v50 =	vadd.s32 $0x400, v0;
	v51 =	vadd.s32 $0x400, v2;
	v39 =	vpop (erf);
	v42 =	vmul.f32 $1.442695020e+00, v42  }
0x172: {  	v43 =	vmul.f32 v43, v35;
	[tilespmem:s9+$0x6E00] =	vst v39;
	(erf) = vrcp.f32 v45;
	v39 =	vsub.f32 v48, v44;
	v44 =	vpop (erf)  }
0x173: {  	v45 =	vld.idx.msk [tilespmem:v49+s7+$0x0], $0xffff;
	v48 =	vpop (erf);
	v44 =	vadd.f32 $1.000000000e+00, v44;
	(erf) = vpow2.f32 v42;
	v42 =	vadd.s32 $0x700, v30  }
0x174: {  	v31 =	vadd.s32 $0x700, v31;
	v43 =	vadd.f32 v43, v34;
	v37 =	vld.idx.msk [tilespmem:v37+s7+$0x0], $0xffff;
	v39 =	vmul.f32 v39, v38;
	v30 =	vpop (erf)  }
0x175: {  	[tilespmem:s4+$0x6F80] =	vst v48;
	(erf) = vrcp.f32 v44;
	v44 =	vsub.f32 v46, v47;
	v46 =	vadd.f32 $1.000000000e+00, v30;
	v30 =	vmovc v21;
	v21 =	vmovc v14  }
0x176: {  	v14 =	vmov v9;
	v43 =	vmul.f32 $1.442695020e+00, v43;
	v39 =	vadd.f32 v39, v4;
	v47 =	vld.idx.msk [tilespmem:v50+s7+$0x0], $0xffff;
	v48 =	vpop (erf)  }
0x177: {  	v9 =	vmovc v0;
	v0 =	vmov v11;
	v49 =	vld.idx.msk [tilespmem:v51+s7+$0x0], $0xffff;
	v44 =	vmul.f32 v44, v17;
	[tilespmem:s10+$0x7100] =	vst v48;
	(erf) = vrcp.f32 v46;
	s10 =	smov.u32 s1;
	s1 =	smov.u32 s30;
	s30 =	smov.u32 s31  }
0x178: {  	v11 =	vmovc v18;
	v18 =	vmovc v26;
	s31 =	smov.u32 s4;
	s4 =	smov.u32 s8;
	s8 =	smov.u32 s18;
	(erf) = vpow2.f32 v43;
	v43 =	vadd.s32 $0x200, v26;
	v39 =	vmul.f32 $1.442695020e+00, v39;
	v42 =	vld.idx.msk [tilespmem:v42+s7+$0x0], $0xffff  }
0x179: {  	v46 =	vadd.s32 $0x200, v27;
	s18 =	smov.u32 s2;
	s2 =	smov.u32 s9;
	v26 =	vmov v33;
	v48 =	vpop (erf);
	v44 =	vadd.f32 v44, v24;
	v50 =	vld.idx.msk [tilespmem:v31+s7+$0x0], $0xffff  }
0x17a: {  	s12 =	sadd.s32 $0x10, s12;
	v33 =	vmovc v36;
	v37 =	vsub.f32 v45, v37;
	v31 =	vmovc v23;
	v45 =	vadd.f32 $1.000000000e+00, v48;
	(erf) = vpow2.f32 v39  }
0x17b: {  	s13 =	sadd.s32 $0x10, s13;
	v51 =	vadd.s32 $0x500, v14;
	v23 =	vmov v16;
	v36 =	vld [tilespmem:s12+$0x0];
	v48 =	vpop (erf);
	v52 =	vmul.f32 $1.442695020e+00, v44  }
0x17c: {  	s20 =	sadd.s32 $0x1, s20;
	v37 =	vmul.f32 v37, v28;
	v39 =	vld [tilespmem:s13+$0x0];
	[tilespmem:s18+$0x6E80] =	vst v48;
	(erf) = vrcp.f32 v45;
	v45 =	vadd.s32 $0x500, v5;
	v16 =	vpop (erf)  }
0x17d: {  	s9 =	sand.u32 $0x7, s20;
	v47 =	vsub.f32 v47, v49;
	v43 =	vld.idx.msk [tilespmem:v43+s7+$0x0], $0xffff;
	v49 =	vadd.f32 $1.000000000e+00, v16;
	(erf) = vpow2.f32 v52;
	v16 =	vmovc v5;
	v5 =	vmovc v2  }
0x17e: {  	s9 =	sshll.u32 s9, $0x4;
	v37 =	vadd.f32 v37, v29;
	v2 =	vmov v10;
	v10 =	vmov v19;
	v46 =	vld.idx.msk [tilespmem:v46+s7+$0x0], $0xffff;
	v44 =	vpop (erf)  }
0x17f: {  	s9 =	sadd.s32 s9, s21;
	s21 =	smov.u32 s22;
	s22 =	smov.u32 s23;
	v19 =	vmovc v27;
	v47 =	vmul.f32 v47, v1;
	[tilespmem:s30+$0x7000] =	vst v44;
	(erf) = vrcp.f32 v49;
	v44 =	vsub.f32 v42, v50  }
0x180: {  	s23 =	smov.u32 s24;
	s24 =	smov.u32 s25;
	s9 =	sor.u32 $0x380, s9;
	v27 =	vmov v32;
	v32 =	vmov v41;
	v37 =	vmul.f32 $1.442695020e+00, v37;
	v42 =	vld.idx.msk [tilespmem:v51+s7+$0x0], $0xffff;
	v48 =	vpop (erf)  }
0x181: {  	s25 =	smov.u32 s26;
	s26 =	smov.u32 s28;
	s28 =	smov.u32 s29;
	v47 =	vadd.f32 v47, v3;
	v49 =	vpop (erf);
	v41 =	vld.idx.msk [tilespmem:v45+s7+$0x0], $0xffff;
	v45 =	vmul.f32 v44, v25;
	[tilespmem:s9+$0x6E00] =	vst v48;
	v25 =	vmov v17  }
.Ltmp1:
0x182: {  	s29 =	smov.u32 s0;
	s0 =	smov.u32 s5;
	v48 =	vadd.s32 $0x300, v11;
	v17 =	vmovc v7;
	v7 =	vmovc v8;
	v49 =	vadd.f32 $1.000000000e+00, v49;
	(erf) = vpow2.f32 v37;
	(pc) =	sbr.rel @p0 .LBB2_5-.Ltmp1, $4  }
0x183: {  	s15 =	sadd.s32 $0x10, s15;
	v44 =	vadd.s32 $0x300, v10;
	v47 =	vmul.f32 $1.442695020e+00, v47;
	v8 =	vpop (erf);
	v52 =	vadd.f32 v45, v40  }
0x184: {  	v37 =	vld [tilespmem:s15+$0x0];
	(erf) = vrcp.f32 v49;
	v49 =	vsub.f32 v43, v46;
	v50 =	vadd.f32 $1.000000000e+00, v8;
	v8 =	vmovc v1;
	v1 =	vmovc v38  }
0x185: {  	v46 =	vadd.s32 $0x600, v21;
	v43 =	vld.idx.msk [tilespmem:v36+s7+$0x0], $0xffff;
	v51 =	vpop (erf);
	(erf) = vpow2.f32 v47;
	v38 =	vmul.f32 $1.442695020e+00, v52  }
0x186: {  	s16 =	sadd.s32 $0x10, s16;
	v47 =	vadd.s32 $0x600, v23;
	v45 =	vld.idx.msk [tilespmem:v39+s7+$0x0], $0xffff;
	v49 =	vmul.f32 v49, v22;
	[tilespmem:s8+$0x6F00] =	vst v51;
	(erf) = vrcp.f32 v50;
	v40 =	vpop (erf)  }
0x187: {  	(erf) = vpow2.f32 v38  }
0x188: {  	s3 =	sadd.s32 $0x10, s3  }
0x189: {  	v41 =	vsub.f32 v42, v41;
	v38 =	vld [tilespmem:s3+$0x0]  }
0x18a: {  	v40 =	vadd.f32 $1.000000000e+00, v40;
	v56 =	vadd.f32 v49, v20  }
0x18b: {  	v48 =	vld.idx.msk [tilespmem:v48+s7+$0x0], $0xffff;
	v58 =	vadd.s32 $0x100, v33;
	v61 =	vadd.s32 $0x100, v32;
	v57 =	vpop (erf);
	v41 =	vmul.f32 v41, v7  }
0x18c: {  	v44 =	vld.idx.msk [tilespmem:v44+s7+$0x0], $0xffff;
	s3 =	sadd.s32 $0x80, s5;
	(erf) = vrcp.f32 v40;
	v42 =	vmul.f32 $1.442695020e+00, v56;
	v59 =	vpop (erf);
	v43 =	vsub.f32 v43, v45  }
0x18d: {  	s15 =	sand.u32 $0x70, s14;
	v62 =	vadd.s32 $0x400, v0;
	[tilespmem:s1+$0x7080] =	vst v57;
	s9 =	sand.u32 $0xFC00, s3;
	v41 =	vadd.f32 v41, v6;
	v50 =	vpop (erf)  }
0x18e: {  	v60 =	vld.idx.msk [tilespmem:v46+s7+$0x0], $0xffff;
	s5 =	sor.u32 s15, s9;
	v49 =	vadd.f32 $1.000000000e+00, v59;
	(erf) = vpow2.f32 v42;
	v43 =	vmul.f32 v43, v38;
	v51 =	vpop (erf)  }
0x18f: {  	v52 =	vadd.s32 $0x400, v2;
	v47 =	vld.idx.msk [tilespmem:v47+s7+$0x0], $0xffff;
	v41 =	vmul.f32 $1.442695020e+00, v41;
	[tilespmem:s5+$0x6E00] =	vst v50;
	v63 =	vpop (erf)  }
0x190: {  	(erf) = vrcp.f32 v49;
	v53 =	vadd.f32 $1.000000000e+00, v51;
	v43 =	vadd.f32 v43, v37;
	v40 =	vld.idx.msk [tilespmem:v58+s7+$0x0], $0xffff;
	v54 =	vpop (erf)  }
0x191: {  	v44 =	vsub.f32 v48, v44;
	(erf) = vpow2.f32 v41;
	v46 =	vld.idx.msk [tilespmem:v61+s7+$0x0], $0xffff;
	v56 =	vadd.f32 $1.000000000e+00, v54  }
0x192: {  	v30 =	vadd.s32 $0x700, v30;
	[tilespmem:s4+$0x6F80] =	vst v63;
	(erf) = vrcp.f32 v53;
	v43 =	vmul.f32 $1.442695020e+00, v43  }
0x193: {  	v31 =	vadd.s32 $0x700, v31;
	v55 =	vmul.f32 v44, v12;
	v42 =	vld.idx.msk [tilespmem:v62+s7+$0x0], $0xffff;
	(erf) = vrcp.f32 v56  }
0x194: {  	v45 =	vsub.f32 v60, v47;
	v59 =	vld.idx.msk [tilespmem:v52+s7+$0x0], $0xffff;
	(erf) = vpow2.f32 v43  }
0x195: {  	v41 =	vadd.f32 v55, v13;
	v57 =	vpop (erf)  }
0x196: {  	v60 =	vadd.s32 $0x200, v26;
	v58 =	vmul.f32 v45, v17;
	[tilespmem:s10+$0x7100] =	vst v57;
	v40 =	vsub.f32 v40, v46  }
0x197: {  	v63 =	vadd.s32 $0x200, v27;
	v53 =	vadd.s32 $0x500, v9;
	v41 =	vmul.f32 $1.442695020e+00, v41;
	v61 =	vld.idx.msk [tilespmem:v30+s7+$0x0], $0xffff;
	v62 =	vpop (erf)  }
0x198: {  	v44 =	vadd.f32 v58, v15;
	v31 =	vld.idx.msk [tilespmem:v31+s7+$0x0], $0xffff;
	v30 =	vadd.f32 $1.000000000e+00, v62;
	v40 =	vmul.f32 v40, v35  }
0x199: {  	v54 =	vadd.s32 $0x500, v5;
	(erf) = vpow2.f32 v41;
	v56 =	vsub.f32 v42, v59;
	v52 =	vpop (erf)  }
0x19a: {  	v44 =	vmul.f32 $1.442695020e+00, v44;
	v55 =	vpop (erf);
	[tilespmem:s2+$0x6E80] =	vst v52;
	v40 =	vadd.f32 v40, v34  }
0x19b: {  	(erf) = vrcp.f32 v30;
	v41 =	vmul.f32 v56, v1;
	v43 =	vld.idx.msk [tilespmem:v60+s7+$0x0], $0xffff;
	v58 =	vadd.f32 $1.000000000e+00, v55;
	v57 =	vpop (erf)  }
0x19c: {  	(erf) = vpow2.f32 v44;
	v59 =	vld.idx.msk [tilespmem:v63+s7+$0x0], $0xffff;
	v40 =	vmul.f32 $1.442695020e+00, v40;
	[tilespmem:s31+$0x7000] =	vst v57;
	v30 =	vpop (erf)  }
0x19d: {  	v31 =	vsub.f32 v61, v31;
	(erf) = vrcp.f32 v58;
	v61 =	vld.idx.msk [tilespmem:v53+s7+$0x0], $0xffff;
	v60 =	vpop (erf)  }
0x19e: {  	v41 =	vadd.f32 v41, v4;
	v62 =	vld.idx.msk [tilespmem:v54+s7+$0x0], $0xffff;
	(erf) = vpow2.f32 v40;
	v42 =	vadd.f32 $1.000000000e+00, v60  }
0x19f: {  	v25 =	vmul.f32 v31, v25  }
0x1a0: {  	v41 =	vmul.f32 $1.442695020e+00, v41;
	(erf) = vrcp.f32 v42  }
0x1a1: {  	v48 =	vadd.s32 $0x300, v19;
	v63 =	vadd.s32 $0x300, v18;
	v49 =	vsub.f32 v43, v59  }
0x1a2: {  	v51 =	vadd.s32 $0x600, v14;
	v24 =	vadd.f32 v25, v24;
	v47 =	vpop (erf);
	(erf) = vpow2.f32 v41  }
0x1a3: {  	v40 =	vadd.f32 $1.000000000e+00, v47;
	v42 =	vmul.f32 v49, v28;
	v44 =	vsub.f32 v61, v62  }
0x1a4: {  	v53 =	vadd.s32 $0x600, v16;
	v24 =	vmul.f32 $1.442695020e+00, v24;
	v50 =	vpop (erf)  }
0x1a5: {  	(erf) = vrcp.f32 v40;
	v52 =	vpop (erf);
	[tilespmem:s18+$0x6F00] =	vst v50;
	v55 =	vadd.f32 v42, v29;
	v56 =	vmul.f32 v44, v8  }
0x1a6: {  	v57 =	vadd.s32 $0x100, v36;
	v59 =	vadd.s32 $0x100, v39;
	v40 =	vadd.f32 $1.000000000e+00, v52;
	v54 =	vld.idx.msk [tilespmem:v63+s7+$0x0], $0xffff;
	v58 =	vpop (erf)  }
0x1a7: {  	s10 =	sadd.s32 $0x80, s3;
	(erf) = vpow2.f32 v24;
	v25 =	vld.idx.msk [tilespmem:v48+s7+$0x0], $0xffff;
	v31 =	vmul.f32 $1.442695020e+00, v55;
	[tilespmem:s30+$0x7080] =	vst v58;
	v60 =	vpop (erf);
	v42 =	vadd.f32 v56, v3  }
0x1a8: {  	s6 =	sand.u32 $0x70, s6;
	s16 =	sand.u32 $0xFC00, s10;
	(erf) = vrcp.f32 v40;
	v41 =	vld.idx.msk [tilespmem:v51+s7+$0x0], $0xffff;
	v40 =	vadd.f32 $1.000000000e+00, v60  }
0x1a9: {  	s6 =	sor.u32 s6, s16;
	v43 =	vld.idx.msk [tilespmem:v53+s7+$0x0], $0xffff;
	(erf) = vpow2.f32 v31;
	v62 =	vmul.f32 $1.442695020e+00, v42;
	v61 =	vpop (erf)  }
0x1aa: {  	(erf) = vrcp.f32 v40;
	[tilespmem:s6+$0x6E00] =	vst v61  }
0x1ab: {  	v49 =	vpop (erf);
	(erf) = vpow2.f32 v62;
	v63 =	vld.idx.msk [tilespmem:v57+s7+$0x0], $0xffff  }
0x1ac: {  	v48 =	vadd.s32 $0x400, v11;
	v24 =	vsub.f32 v54, v25;
	v50 =	vld.idx.msk [tilespmem:v59+s7+$0x0], $0xffff;
	v25 =	vadd.f32 $1.000000000e+00, v49  }
0x1ad: {  	v21 =	vadd.s32 $0x700, v21;
	v51 =	vadd.s32 $0x400, v10  }
0x1ae: {  	v24 =	vmul.f32 v24, v22;
	v52 =	vpop (erf);
	v54 =	vsub.f32 v41, v43;
	(erf) = vrcp.f32 v25  }
0x1af: {  	v23 =	vadd.s32 $0x700, v23  }
0x1b0: {  	v57 =	vadd.s32 $0x200, v33;
	v53 =	vpop (erf);
	[tilespmem:s8+$0x6F80] =	vst v52;
	v24 =	vadd.f32 v24, v20;
	v25 =	vmul.f32 v54, v7  }
0x1b1: {  	v59 =	vadd.s32 $0x200, v32;
	v55 =	vadd.f32 $1.000000000e+00, v53;
	v42 =	vld.idx.msk [tilespmem:v48+s7+$0x0], $0xffff;
	v56 =	vpop (erf);
	v31 =	vsub.f32 v63, v50  }
0x1b2: {  	v58 =	vld.idx.msk [tilespmem:v51+s7+$0x0], $0xffff;
	v24 =	vmul.f32 $1.442695020e+00, v24;
	[tilespmem:s1+$0x7100] =	vst v56;
	v60 =	vpop (erf);
	v25 =	vadd.f32 v25, v6  }
0x1b3: {  	(erf) = vrcp.f32 v55;
	v21 =	vld.idx.msk [tilespmem:v21+s7+$0x0], $0xffff;
	v41 =	vadd.f32 $1.000000000e+00, v60;
	v31 =	vmul.f32 v31, v38;
	v61 =	vpop (erf)  }
0x1b4: {  	v23 =	vld.idx.msk [tilespmem:v23+s7+$0x0], $0xffff;
	(erf) = vpow2.f32 v24;
	v25 =	vmul.f32 $1.442695020e+00, v25;
	[tilespmem:s5+$0x6E80] =	vst v61;
	v63 =	vpop (erf)  }
0x1b5: {  	(erf) = vrcp.f32 v41;
	v31 =	vadd.f32 v31, v37;
	v45 =	vld.idx.msk [tilespmem:v57+s7+$0x0], $0xffff;
	v24 =	vadd.f32 $1.000000000e+00, v63  }
0x1b6: {  	(erf) = vpow2.f32 v25;
	v49 =	vld.idx.msk [tilespmem:v59+s7+$0x0], $0xffff  }
0x1b7: {  	v40 =	vsub.f32 v42, v58;
	v31 =	vmul.f32 $1.442695020e+00, v31;
	v50 =	vpop (erf);
	(erf) = vrcp.f32 v24  }
0x1b8: {  	v62 =	vadd.s32 $0x500, v0;
	v48 =	vadd.s32 $0x500, v2  }
0x1b9: {  	v51 =	vmul.f32 v40, v12;
	v21 =	vsub.f32 v21, v23;
	(erf) = vpow2.f32 v31  }
0x1ba: {  	v54 =	vadd.s32 $0x300, v26  }
0x1bb: {  	v24 =	vadd.f32 v51, v13;
	v21 =	vmul.f32 v21, v17;
	v25 =	vsub.f32 v45, v49  }
0x1bc: {  	v55 =	vadd.s32 $0x300, v27;
	v59 =	vadd.s32 $0x600, v9;
	[tilespmem:s4+$0x7000] =	vst v50;
	v17 =	vpop (erf)  }
0x1bd: {  	v52 =	vld.idx.msk [tilespmem:v62+s7+$0x0], $0xffff;
	v24 =	vmul.f32 $1.442695020e+00, v24;
	v56 =	vpop (erf);
	v57 =	vadd.f32 v21, v15;
	v25 =	vmul.f32 v25, v35  }
0x1be: {  	v61 =	vadd.s32 $0x600, v5;
	v53 =	vld.idx.msk [tilespmem:v48+s7+$0x0], $0xffff;
	v58 =	vadd.f32 $1.000000000e+00, v56;
	v60 =	vpop (erf)  }
0x1bf: {  	v15 =	vmul.f32 $1.442695020e+00, v57;
	(erf) = vpow2.f32 v24;
	[tilespmem:s2+$0x6F00] =	vst v60;
	v62 =	vpop (erf);
	v25 =	vadd.f32 v25, v34  }
0x1c0: {  	(erf) = vrcp.f32 v58;
	v63 =	vld.idx.msk [tilespmem:v54+s7+$0x0], $0xffff;
	v21 =	vadd.f32 $1.000000000e+00, v62;
	v44 =	vpop (erf)  }
0x1c1: {  	(erf) = vpow2.f32 v15;
	v45 =	vld.idx.msk [tilespmem:v55+s7+$0x0], $0xffff;
	v46 =	vmul.f32 $1.442695020e+00, v25;
	[tilespmem:s31+$0x7080] =	vst v44  }
0x1c2: {  	(erf) = vrcp.f32 v21;
	v47 =	vpop (erf);
	v48 =	vld.idx.msk [tilespmem:v59+s7+$0x0], $0xffff  }
0x1c3: {  	v23 =	vsub.f32 v52, v53;
	v24 =	vld.idx.msk [tilespmem:v61+s7+$0x0], $0xffff;
	(erf) = vpow2.f32 v46;
	v25 =	vadd.f32 $1.000000000e+00, v47;
	_ =	sdelay $0x1  }
0x1c4: {  	v23 =	vmul.f32 v23, v1;
	(erf) = vrcp.f32 v25  }
0x1c5: {  	v49 =	vadd.s32 $0x400, v18;
	v31 =	vsub.f32 v63, v45  }
0x1c6: {  	v50 =	vadd.s32 $0x400, v19;
	v23 =	vadd.f32 v23, v4  }
0x1c7: {  	v53 =	vadd.s32 $0x700, v14;
	v51 =	vpop (erf);
	v31 =	vmul.f32 v31, v28;
	v21 =	vsub.f32 v48, v24  }
0x1c8: {  	v57 =	vadd.s32 $0x200, v36;
	v55 =	vadd.s32 $0x700, v16;
	v23 =	vmul.f32 $1.442695020e+00, v23;
	v52 =	vpop (erf)  }
0x1c9: {  	v54 =	vadd.f32 $1.000000000e+00, v51;
	[tilespmem:s18+$0x6F80] =	vst v52;
	v56 =	vpop (erf);
	v31 =	vadd.f32 v31, v29;
	v21 =	vmul.f32 v21, v8  }
0x1ca: {  	v59 =	vadd.s32 $0x200, v39;
	(erf) = vpow2.f32 v23;
	v15 =	vld.idx.msk [tilespmem:v49+s7+$0x0], $0xffff;
	v23 =	vadd.f32 $1.000000000e+00, v56;
	v58 =	vpop (erf)  }
0x1cb: {  	(erf) = vrcp.f32 v54;
	v25 =	vld.idx.msk [tilespmem:v50+s7+$0x0], $0xffff;
	v60 =	vmul.f32 $1.442695020e+00, v31;
	[tilespmem:s30+$0x7100] =	vst v58;
	v61 =	vpop (erf);
	v21 =	vadd.f32 v21, v3  }
0x1cc: {  	(erf) = vrcp.f32 v23;
	v14 =	vld.idx.msk [tilespmem:v53+s7+$0x0], $0xffff;
	v62 =	vadd.f32 $1.000000000e+00, v61  }
0x1cd: {  	v16 =	vld.idx.msk [tilespmem:v55+s7+$0x0], $0xffff;
	(erf) = vpow2.f32 v60;
	v21 =	vmul.f32 $1.442695020e+00, v21;
	v63 =	vpop (erf)  }
0x1ce: {  	(erf) = vrcp.f32 v62;
	[tilespmem:s6+$0x6E80] =	vst v63  }
0x1cf: {  	(erf) = vpow2.f32 v21;
	v40 =	vld.idx.msk [tilespmem:v57+s7+$0x0], $0xffff  }
0x1d0: {  	v15 =	vsub.f32 v15, v25;
	v41 =	vld.idx.msk [tilespmem:v59+s7+$0x0], $0xffff  }
0x1d1: {  	v42 =	vadd.s32 $0x500, v11  }
0x1d2: {  	v44 =	vadd.s32 $0x500, v10;
	v15 =	vmul.f32 v15, v22;
	v14 =	vsub.f32 v14, v16  }
0x1d3: {  	v43 =	vpop (erf)  }
0x1d4: {  	v25 =	vadd.f32 $1.000000000e+00, v43;
	v45 =	vpop (erf);
	v15 =	vadd.f32 v15, v20;
	v14 =	vmul.f32 v14, v7  }
0x1d5: {  	v46 =	vadd.s32 $0x300, v33;
	v48 =	vadd.s32 $0x300, v32;
	[tilespmem:s8+$0x7000] =	vst v45;
	v7 =	vpop (erf);
	v21 =	vsub.f32 v40, v41  }
0x1d6: {  	(erf) = vrcp.f32 v25;
	v47 =	vld.idx.msk [tilespmem:v42+s7+$0x0], $0xffff;
	v15 =	vmul.f32 $1.442695020e+00, v15;
	v50 =	vpop (erf);
	v51 =	vadd.f32 v14, v6  }
0x1d7: {  	v49 =	vld.idx.msk [tilespmem:v44+s7+$0x0], $0xffff;
	v53 =	vadd.f32 $1.000000000e+00, v50;
	v52 =	vmul.f32 v21, v38;
	v54 =	vpop (erf)  }
0x1d8: {  	(erf) = vpow2.f32 v15;
	v6 =	vmul.f32 $1.442695020e+00, v51;
	v55 =	vpop (erf)  }
0x1d9: {  	[tilespmem:s5+$0x6F00] =	vst v54;
	(erf) = vrcp.f32 v53;
	v14 =	vadd.f32 v52, v37;
	v15 =	vadd.f32 $1.000000000e+00, v55  }
0x1da: {  	v16 =	vld.idx.msk [tilespmem:v46+s7+$0x0], $0xffff;
	(erf) = vpow2.f32 v6  }
0x1db: {  	v57 =	vld.idx.msk [tilespmem:v48+s7+$0x0], $0xffff;
	v14 =	vmul.f32 $1.442695020e+00, v14;
	(erf) = vrcp.f32 v15  }
0x1dc: {  	v56 =	vadd.s32 $0x600, v0;
	v23 =	vsub.f32 v47, v49  }
0x1dd: {  	v58 =	vadd.s32 $0x600, v2;
	(erf) = vpow2.f32 v14  }
0x1de: {  	v60 =	vmul.f32 v23, v12  }
0x1df: {  	v61 =	vadd.s32 $0x400, v26;
	v59 =	vpop (erf)  }
0x1e0: {  	v63 =	vadd.s32 $0x400, v27;
	[tilespmem:s4+$0x7080] =	vst v59;
	v15 =	vadd.f32 v60, v13;
	v6 =	vsub.f32 v16, v57  }
0x1e1: {  	v40 =	vadd.s32 $0x700, v9;
	v14 =	vld.idx.msk [tilespmem:v56+s7+$0x0], $0xffff;
	v31 =	vpop (erf)  }
0x1e2: {  	v42 =	vadd.s32 $0x700, v5;
	v62 =	vld.idx.msk [tilespmem:v58+s7+$0x0], $0xffff;
	v15 =	vmul.f32 $1.442695020e+00, v15;
	v6 =	vmul.f32 v6, v35;
	v41 =	vpop (erf)  }
0x1e3: {  	v24 =	vadd.f32 $1.000000000e+00, v31;
	v43 =	vpop (erf);
	[tilespmem:s2+$0x6F80] =	vst v41  }
0x1e4: {  	(erf) = vpow2.f32 v15;
	v6 =	vadd.f32 v6, v34;
	v21 =	vld.idx.msk [tilespmem:v61+s7+$0x0], $0xffff;
	v44 =	vpop (erf)  }
0x1e5: {  	(erf) = vrcp.f32 v24;
	v15 =	vadd.f32 $1.000000000e+00, v43;
	v45 =	vld.idx.msk [tilespmem:v63+s7+$0x0], $0xffff;
	[tilespmem:s31+$0x7100] =	vst v44  }
0x1e6: {  	v6 =	vmul.f32 $1.442695020e+00, v6;
	v46 =	vpop (erf);
	v9 =	vld.idx.msk [tilespmem:v40+s7+$0x0], $0xffff  }
0x1e7: {  	v14 =	vsub.f32 v14, v62;
	(erf) = vrcp.f32 v15;
	v5 =	vld.idx.msk [tilespmem:v42+s7+$0x0], $0xffff;
	v47 =	vadd.f32 $1.000000000e+00, v46  }
0x1e8: {  	(erf) = vpow2.f32 v6  }
0x1e9: {  	v14 =	vmul.f32 v14, v1;
	(erf) = vrcp.f32 v47;
	_ =	sdelay $0x1  }
0x1ea: {  	v49 =	vadd.s32 $0x500, v18;
	v48 =	vadd.f32 v14, v4;
	v50 =	vsub.f32 v21, v45  }
0x1eb: {  	v51 =	vadd.s32 $0x500, v19;
	v5 =	vsub.f32 v9, v5  }
0x1ec: {  	v6 =	vmul.f32 $1.442695020e+00, v48;
	v52 =	vpop (erf);
	v15 =	vmul.f32 v50, v28  }
0x1ed: {  	v57 =	vadd.s32 $0x300, v36;
	v53 =	vadd.f32 $1.000000000e+00, v52;
	v54 =	vpop (erf)  }
0x1ee: {  	(erf) = vpow2.f32 v6;
	[tilespmem:s18+$0x7000] =	vst v54;
	v55 =	vadd.f32 v15, v29;
	v56 =	vmul.f32 v5, v8  }
0x1ef: {  	v59 =	vadd.s32 $0x300, v39;
	(erf) = vrcp.f32 v53;
	v58 =	vld.idx.msk [tilespmem:v49+s7+$0x0], $0xffff;
	v5 =	vpop (erf)  }
0x1f0: {  	v16 =	vld.idx.msk [tilespmem:v51+s7+$0x0], $0xffff;
	v6 =	vmul.f32 $1.442695020e+00, v55;
	v61 =	vadd.f32 v56, v3;
	v60 =	vpop (erf)  }
0x1f1: {  	v62 =	vadd.f32 $1.000000000e+00, v60;
	v63 =	vpop (erf)  }
0x1f2: {  	(erf) = vpow2.f32 v6;
	v3 =	vmul.f32 $1.442695020e+00, v61;
	[tilespmem:s6+$0x6F00] =	vst v63  }
0x1f3: {  	(erf) = vrcp.f32 v62;
	v21 =	vld.idx.msk [tilespmem:v57+s7+$0x0], $0xffff  }
0x1f4: {  	(erf) = vpow2.f32 v3;
	v23 =	vld.idx.msk [tilespmem:v59+s7+$0x0], $0xffff  }
0x1f5: {  	v24 =	vadd.s32 $0x600, v11;
	v9 =	vsub.f32 v58, v16  }
0x1f6: {  	v25 =	vadd.s32 $0x600, v10  }
0x1f7: {  	v31 =	vpop (erf);
	v9 =	vmul.f32 v9, v22  }
0x1f8: {  	v15 =	vadd.f32 $1.000000000e+00, v31;
	v40 =	vpop (erf)  }
0x1f9: {  	v41 =	vadd.s32 $0x400, v33;
	v9 =	vadd.f32 v9, v20;
	[tilespmem:s8+$0x7080] =	vst v40;
	v3 =	vsub.f32 v21, v23  }
0x1fa: {  	v43 =	vadd.s32 $0x400, v32;
	(erf) = vrcp.f32 v15;
	v42 =	vld.idx.msk [tilespmem:v24+s7+$0x0], $0xffff  }
0x1fb: {  	v14 =	vld.idx.msk [tilespmem:v25+s7+$0x0], $0xffff;
	v9 =	vmul.f32 $1.442695020e+00, v9;
	v44 =	vpop (erf);
	v3 =	vmul.f32 v3, v38  }
0x1fc: {  	v15 =	vadd.f32 $1.000000000e+00, v44;
	v45 =	vpop (erf)  }
0x1fd: {  	(erf) = vpow2.f32 v9;
	v46 =	vpop (erf);
	[tilespmem:s5+$0x6F80] =	vst v45;
	v3 =	vadd.f32 v3, v37  }
0x1fe: {  	(erf) = vrcp.f32 v15;
	v9 =	vadd.f32 $1.000000000e+00, v46;
	v47 =	vld.idx.msk [tilespmem:v41+s7+$0x0], $0xffff  }
0x1ff: {  	v8 =	vld.idx.msk [tilespmem:v43+s7+$0x0], $0xffff;
	v3 =	vmul.f32 $1.442695020e+00, v3  }
0x200: {  	v48 =	vadd.s32 $0x700, v0;
	v6 =	vsub.f32 v42, v14;
	(erf) = vrcp.f32 v9  }
0x201: {  	v49 =	vadd.s32 $0x700, v2;
	(erf) = vpow2.f32 v3  }
0x202: {  	v50 =	vmul.f32 v6, v12  }
0x203: {  	v51 =	vpop (erf)  }
0x204: {  	v52 =	vadd.s32 $0x500, v26;
	[tilespmem:s4+$0x7100] =	vst v51;
	v3 =	vadd.f32 v50, v13;
	v8 =	vsub.f32 v47, v8  }
0x205: {  	v54 =	vadd.s32 $0x500, v27;
	v53 =	vld.idx.msk [tilespmem:v48+s7+$0x0], $0xffff  }
0x206: {  	v2 =	vld.idx.msk [tilespmem:v49+s7+$0x0], $0xffff;
	v55 =	vmul.f32 $1.442695020e+00, v3;
	v56 =	vpop (erf);
	v8 =	vmul.f32 v8, v35  }
0x207: {  	v3 =	vadd.f32 $1.000000000e+00, v56;
	v57 =	vpop (erf)  }
0x208: {  	(erf) = vpow2.f32 v55;
	[tilespmem:s2+$0x7000] =	vst v57;
	v8 =	vadd.f32 v8, v34  }
0x209: {  	(erf) = vrcp.f32 v3;
	v58 =	vld.idx.msk [tilespmem:v52+s7+$0x0], $0xffff;
	v0 =	vpop (erf)  }
0x20a: {  	v59 =	vld.idx.msk [tilespmem:v54+s7+$0x0], $0xffff;
	v8 =	vmul.f32 $1.442695020e+00, v8;
	v60 =	vpop (erf)  }
0x20b: {  	v2 =	vsub.f32 v53, v2;
	v61 =	vadd.f32 $1.000000000e+00, v60  }
0x20c: {  	(erf) = vpow2.f32 v8  }
0x20d: {  	v62 =	vmul.f32 v2, v1;
	(erf) = vrcp.f32 v61;
	_ =	sdelay $0x1  }
0x20e: {  	v63 =	vadd.s32 $0x600, v18;
	v1 =	vadd.f32 v62, v4;
	v3 =	vsub.f32 v58, v59  }
0x20f: {  	v14 =	vadd.s32 $0x600, v19  }
0x210: {  	v1 =	vmul.f32 $1.442695020e+00, v1;
	v15 =	vpop (erf);
	v3 =	vmul.f32 v3, v28  }
0x211: {  	v6 =	vadd.f32 $1.000000000e+00, v15;
	v16 =	vpop (erf)  }
0x212: {  	v23 =	vadd.s32 $0x400, v36;
	(erf) = vpow2.f32 v1;
	[tilespmem:s18+$0x7080] =	vst v16;
	v21 =	vadd.f32 v3, v29  }
0x213: {  	v24 =	vadd.s32 $0x400, v39;
	(erf) = vrcp.f32 v6;
	v2 =	vld.idx.msk [tilespmem:v63+s7+$0x0], $0xffff  }
0x214: {  	v4 =	vld.idx.msk [tilespmem:v14+s7+$0x0], $0xffff;
	v1 =	vmul.f32 $1.442695020e+00, v21;
	v25 =	vpop (erf)  }
0x215: {  	v8 =	vadd.f32 $1.000000000e+00, v25;
	v9 =	vpop (erf)  }
0x216: {  	(erf) = vpow2.f32 v1;
	[tilespmem:s6+$0x6F80] =	vst v9  }
0x217: {  	(erf) = vrcp.f32 v8;
	v31 =	vld.idx.msk [tilespmem:v23+s7+$0x0], $0xffff  }
0x218: {  	v40 =	vld.idx.msk [tilespmem:v24+s7+$0x0], $0xffff  }
0x219: {  	v41 =	vadd.s32 $0x700, v11;
	v2 =	vsub.f32 v2, v4  }
0x21a: {  	v42 =	vadd.s32 $0x700, v10  }
0x21b: {  	v43 =	vpop (erf);
	v2 =	vmul.f32 v2, v22  }
0x21c: {  	v44 =	vpop (erf)  }
0x21d: {  	v45 =	vadd.s32 $0x500, v33;
	v2 =	vadd.f32 v2, v20;
	[tilespmem:s8+$0x7100] =	vst v44;
	v1 =	vsub.f32 v31, v40  }
0x21e: {  	v47 =	vadd.s32 $0x500, v32;
	v46 =	vadd.f32 $1.000000000e+00, v43;
	v6 =	vld.idx.msk [tilespmem:v41+s7+$0x0], $0xffff  }
0x21f: {  	v4 =	vld.idx.msk [tilespmem:v42+s7+$0x0], $0xffff;
	v2 =	vmul.f32 $1.442695020e+00, v2;
	v48 =	vpop (erf);
	v1 =	vmul.f32 v1, v38  }
0x220: {  	(erf) = vrcp.f32 v46;
	v49 =	vadd.f32 $1.000000000e+00, v48;
	v50 =	vpop (erf)  }
0x221: {  	(erf) = vpow2.f32 v2;
	[tilespmem:s5+$0x7000] =	vst v50;
	v1 =	vadd.f32 v1, v37  }
0x222: {  	(erf) = vrcp.f32 v49;
	v51 =	vld.idx.msk [tilespmem:v45+s7+$0x0], $0xffff  }
0x223: {  	v52 =	vld.idx.msk [tilespmem:v47+s7+$0x0], $0xffff;
	v1 =	vmul.f32 $1.442695020e+00, v1  }
0x224: {  	v4 =	vsub.f32 v6, v4  }
0x225: {  	(erf) = vpow2.f32 v1  }
0x226: {  	v53 =	vmul.f32 v4, v12;
	_ =	sdelay $0x1  }
0x227: {  	v54 =	vadd.s32 $0x600, v26;
	v4 =	vadd.f32 v53, v13;
	v2 =	vsub.f32 v51, v52  }
0x228: {  	v55 =	vadd.s32 $0x600, v27;
	v1 =	vpop (erf)  }
0x229: {  	v4 =	vmul.f32 $1.442695020e+00, v4;
	v56 =	vpop (erf);
	v2 =	vmul.f32 v2, v35  }
0x22a: {  	v8 =	vadd.f32 $1.000000000e+00, v56;
	v57 =	vpop (erf)  }
0x22b: {  	(erf) = vpow2.f32 v4;
	[tilespmem:s2+$0x7080] =	vst v57;
	v2 =	vadd.f32 v2, v34  }
0x22c: {  	(erf) = vrcp.f32 v8;
	v58 =	vld.idx.msk [tilespmem:v54+s7+$0x0], $0xffff  }
0x22d: {  	v3 =	vld.idx.msk [tilespmem:v55+s7+$0x0], $0xffff;
	v2 =	vmul.f32 $1.442695020e+00, v2;
	v59 =	vpop (erf)  }
0x22e: {  	v6 =	vadd.f32 $1.000000000e+00, v59  }
0x22f: {  	(erf) = vpow2.f32 v2  }
0x230: {  	(erf) = vrcp.f32 v6;
	_ =	sdelay $0x1  }
0x231: {  	v60 =	vadd.s32 $0x700, v18;
	v3 =	vsub.f32 v58, v3  }
0x232: {  	v61 =	vadd.s32 $0x700, v19  }
0x233: {  	v62 =	vpop (erf);
	v3 =	vmul.f32 v3, v28  }
0x234: {  	v8 =	vpop (erf)  }
0x235: {  	v63 =	vadd.s32 $0x500, v36;
	v3 =	vadd.f32 v3, v29;
	[tilespmem:s18+$0x7100] =	vst v8  }
0x236: {  	v12 =	vadd.s32 $0x500, v39;
	v6 =	vadd.f32 $1.000000000e+00, v62;
	v2 =	vld.idx.msk [tilespmem:v60+s7+$0x0], $0xffff  }
0x237: {  	v4 =	vld.idx.msk [tilespmem:v61+s7+$0x0], $0xffff;
	v3 =	vmul.f32 $1.442695020e+00, v3;
	v13 =	vpop (erf)  }
0x238: {  	(erf) = vrcp.f32 v6;
	v14 =	vadd.f32 $1.000000000e+00, v13;
	v15 =	vpop (erf)  }
0x239: {  	(erf) = vpow2.f32 v3;
	[tilespmem:s6+$0x7000] =	vst v15  }
0x23a: {  	(erf) = vrcp.f32 v14;
	v16 =	vld.idx.msk [tilespmem:v63+s7+$0x0], $0xffff  }
0x23b: {  	v18 =	vld.idx.msk [tilespmem:v12+s7+$0x0], $0xffff  }
0x23c: {  	v2 =	vsub.f32 v2, v4;
	_ =	sdelay $0x1  }
0x23d: {  	v2 =	vmul.f32 v2, v22;
	_ =	sdelay $0x1  }
0x23e: {  	v19 =	vadd.f32 v2, v20;
	v20 =	vadd.s32 $0x600, v33;
	v3 =	vsub.f32 v16, v18  }
0x23f: {  	v22 =	vadd.s32 $0x600, v32;
	v21 =	vpop (erf)  }
0x240: {  	v4 =	vmul.f32 $1.442695020e+00, v19;
	v23 =	vpop (erf);
	v3 =	vmul.f32 v3, v38  }
0x241: {  	v9 =	vadd.f32 $1.000000000e+00, v23;
	v24 =	vpop (erf)  }
0x242: {  	(erf) = vpow2.f32 v4;
	[tilespmem:s5+$0x7080] =	vst v24;
	v3 =	vadd.f32 v3, v37  }
0x243: {  	(erf) = vrcp.f32 v9;
	v25 =	vld.idx.msk [tilespmem:v20+s7+$0x0], $0xffff  }
0x244: {  	v6 =	vld.idx.msk [tilespmem:v22+s7+$0x0], $0xffff;
	v3 =	vmul.f32 $1.442695020e+00, v3;
	_ =	sdelay $0x1  }
0x245: {  	(erf) = vpow2.f32 v3;
	_ =	sdelay $0x2  }
0x246: {  	v26 =	vadd.s32 $0x700, v26;
	v4 =	vsub.f32 v25, v6  }
0x247: {  	v27 =	vadd.s32 $0x700, v27  }
0x248: {  	v31 =	vpop (erf);
	v4 =	vmul.f32 v4, v35  }
0x249: {  	v9 =	vpop (erf)  }
0x24a: {  	[tilespmem:s2+$0x7100] =	vst v9;
	v4 =	vadd.f32 v4, v34  }
0x24b: {  	v8 =	vadd.f32 $1.000000000e+00, v31;
	v3 =	vld.idx.msk [tilespmem:v26+s7+$0x0], $0xffff  }
0x24c: {  	v6 =	vld.idx.msk [tilespmem:v27+s7+$0x0], $0xffff;
	v4 =	vmul.f32 $1.442695020e+00, v4;
	v40 =	vpop (erf)  }
0x24d: {  	(erf) = vrcp.f32 v8;
	v41 =	vadd.f32 $1.000000000e+00, v40  }
0x24e: {  	(erf) = vpow2.f32 v4  }
0x24f: {  	(erf) = vrcp.f32 v41;
	_ =	sdelay $0x1  }
0x250: {  	v3 =	vsub.f32 v3, v6;
	_ =	sdelay $0x1  }
0x251: {  	v3 =	vmul.f32 v3, v28;
	_ =	sdelay $0x1  }
0x252: {  	v42 =	vadd.s32 $0x600, v36;
	v3 =	vadd.f32 v3, v29  }
0x253: {  	v44 =	vadd.s32 $0x600, v39;
	v43 =	vpop (erf)  }
0x254: {  	v3 =	vmul.f32 $1.442695020e+00, v3;
	v45 =	vpop (erf)  }
0x255: {  	v9 =	vadd.f32 $1.000000000e+00, v45;
	v46 =	vpop (erf)  }
0x256: {  	(erf) = vpow2.f32 v3;
	[tilespmem:s6+$0x7080] =	vst v46  }
0x257: {  	(erf) = vrcp.f32 v9;
	v47 =	vld.idx.msk [tilespmem:v42+s7+$0x0], $0xffff  }
0x258: {  	v48 =	vld.idx.msk [tilespmem:v44+s7+$0x0], $0xffff;
	_ =	sdelay $0x4  }
0x259: {  	v49 =	vadd.s32 $0x700, v33;
	v3 =	vsub.f32 v47, v48  }
0x25a: {  	v50 =	vadd.s32 $0x700, v32  }
0x25b: {  	v51 =	vpop (erf);
	v3 =	vmul.f32 v3, v38  }
0x25c: {  	v52 =	vpop (erf)  }
0x25d: {  	[tilespmem:s5+$0x7100] =	vst v52;
	v3 =	vadd.f32 v3, v37  }
0x25e: {  	v9 =	vadd.f32 $1.000000000e+00, v51;
	v8 =	vld.idx.msk [tilespmem:v49+s7+$0x0], $0xffff  }
0x25f: {  	v4 =	vld.idx.msk [tilespmem:v50+s7+$0x0], $0xffff;
	v3 =	vmul.f32 $1.442695020e+00, v3  }
0x260: {  	(erf) = vrcp.f32 v9  }
0x261: {  	(erf) = vpow2.f32 v3;
	_ =	sdelay $0x2  }
0x262: {  	v53 =	vsub.f32 v8, v4;
	_ =	sdelay $0x1  }
0x263: {  	v3 =	vmul.f32 v53, v35;
	_ =	sdelay $0x1  }
0x264: {  	v3 =	vadd.f32 v3, v34  }
0x265: {  	v54 =	vpop (erf)  }
0x266: {  	v3 =	vmul.f32 $1.442695020e+00, v3;
	v55 =	vpop (erf)  }
0x267: {  	v8 =	vadd.f32 $1.000000000e+00, v55  }
0x268: {  	(erf) = vpow2.f32 v3  }
0x269: {  	(erf) = vrcp.f32 v8;
	_ =	sdelay $0x5  }
0x26a: {  	v56 =	vadd.s32 $0x700, v36  }
0x26b: {  	v57 =	vadd.s32 $0x700, v39  }
0x26c: {  	v58 =	vpop (erf)  }
0x26d: {  	v59 =	vpop (erf)  }
0x26e: {  	[tilespmem:s6+$0x7100] =	vst v59  }
0x26f: {  	v3 =	vld.idx.msk [tilespmem:v56+s7+$0x0], $0xffff  }
0x270: {  	v8 =	vld.idx.msk [tilespmem:v57+s7+$0x0], $0xffff;
	_ =	sdelay $0x4  }
0x271: {  	v3 =	vsub.f32 v3, v8;
	_ =	sdelay $0x1  }
0x272: {  	v3 =	vmul.f32 v3, v38;
	_ =	sdelay $0x1  }
0x273: {  	v3 =	vadd.f32 v3, v37  }
0x274: {  	v60 =	vadd.f32 $1.000000000e+00, v58  }
0x275: {  	s17 =	sadd.s32 $0x1, s20;
	v3 =	vmul.f32 $1.442695020e+00, v3  }
0x276: {  	s1 =	sadd.s32 $0x1, s17;
	(erf) = vrcp.f32 v60  }
0x277: {  	s20 =	sand.u32 $0x7, s1;
	(erf) = vpow2.f32 v3  }
0x278: {  	s4 =	sshll.u32 s20, $0x4  }
0x279: {  	s4 =	sadd.s32 s4, s22;
	s18 =	sand.u32 $0x7, s17  }
0x27a: {  	s1 =	sadd.s32 $0x1, s1;
	s4 =	sor.u32 $0x380, s4;
	s2 =	sshll.u32 s18, $0x4  }
0x27b: {  	s2 =	sadd.s32 s2, s21;
	s21 =	sand.u32 $0x7, s1;
	s1 =	sadd.s32 $0x1, s1  }
0x27c: {  	s22 =	sand.u32 $0x7, s1;
	s1 =	sadd.s32 $0x1, s1;
	s5 =	sshll.u32 s21, $0x4  }
0x27d: {  	s2 =	sor.u32 $0x380, s2;
	s5 =	sadd.s32 s5, s23;
	s23 =	sand.u32 $0x7, s1  }
0x27e: {  	s1 =	sadd.s32 $0x1, s1;
	s8 =	sshll.u32 s23, $0x4;
	s5 =	sor.u32 $0x380, s5  }
0x27f: {  	s23 =	smul.u32 $0xCC00, s19;
	s8 =	sadd.s32 s8, s25;
	s25 =	sand.u32 $0x7, s1;
	v61 =	vpop (erf)  }
0x280: {  	s19 =	sadd.s32 $0x1, s19;
	s1 =	sadd.s32 $0x1, s1;
	s9 =	sshll.u32 s25, $0x4;
	v62 =	vpop (erf)  }
0x281: {  	[tilespmem:s4+$0x6E00] =	vst v17;
	s12 =	sand.u32 $0x7, s1;
	s1 =	sadd.s32 $0x1, s1;
	s9 =	sadd.s32 s9, s26;
	v8 =	vadd.f32 $1.000000000e+00, v62  }
0x282: {  	[tilespmem:s2+$0x6E00] =	vst v30;
	s31 =	sshll.u32 s12, $0x4;
	s13 =	sand.u32 $0x7, s1;
	s1 =	sadd.s32 $0x1, s1  }
0x283: {  	[tilespmem:s5+$0x6E00] =	vst v7;
	s12 =	sor.u32 $0x380, s8;
	s8 =	sshll.u32 s13, $0x4;
	s17 =	sand.u32 $0x7, s1;
	(erf) = vrcp.f32 v8  }
0x284: {  	s14 =	sor.u32 $0x380, s9;
	[tilespmem:s12+$0x6E00] =	vst v0;
	s16 =	sadd.s32 s8, s29;
	s20 =	sshll.u32 s17, $0x4  }
0x285: {  	[tilespmem:s14+$0x6E00] =	vst v1;
	s18 =	sor.u32 $0x380, s16;
	s0 =	sadd.s32 s20, s0;
	s6 =	sshll.u32 s22, $0x4  }
0x286: {  	p0 =	sne.s32 s19, $0x5;
	[tilespmem:s18+$0x6E00] =	vst v43;
	s0 =	sor.u32 $0x380, s0;
	s6 =	sadd.s32 s6, s24  }
0x287: {  	s1 =	sadd.s32 $0x1, s1;
	[tilespmem:s0+$0x6E00] =	vst v54;
	s30 =	sor.u32 $0x380, s6;
	s6 =	sadd.s32 s31, s28  }
0x288: {  	s21 =	sand.u32 $0x7, s1;
	s1 =	sadd.s32 $0x1, s1;
	[tilespmem:s30+$0x6E00] =	vst v5;
	s15 =	sor.u32 $0x380, s6  }
0x289: {  	s29 =	rddreg [dreg:$0x5];
	s1 =	sand.u32 $0x7, s1;
	s22 =	sshll.u32 s21, $0x4;
	[tilespmem:s15+$0x6E00] =	vst v21  }
0x28a: {  	s1 =	sshll.u32 s1, $0x4;
	s2 =	sadd.s32 s22, s3;
	s26 =	rddreg [dreg:$0x8]  }
0x28b: {  	s24 =	sadd.s32 s1, s10;
	s25 =	sor.u32 $0x380, s2;
	s2 =	sadd.s32 s26, s23  }
0x28c: {  	s0 =	sor.u32 $0x380, s24;
	s31 =	simm.s32 $0x1;
	s28 =	sshrl.u32 s2, $0x3;
	[tilespmem:s25+$0x6E00] =	vst v61;
	v63 =	vpop (erf)  }
.Ltmp2:
0x28d: {  	s30 =	simm.s32 $0x6E00;
	[tilespmem:s0+$0x6E00] =	vst v63;
	s0 =	sadd.s32 s29, s28;
	(pc) =	sbr.rel @p0 .LBB2_2-.Ltmp2, $4  }
0x28e: {  	[hbm4b:s0+s7] =	stream.linear.scatter [tilespmem:s30], [sflag:$0x1], $0xCC00, $0x38;
	[tilespmem:$0x13A00] =	vst v63  }
0x28f: {  	_ =	swait.ge [sflag:s31], $0xCC00  }
0x290: {  	[sflag:s31] =	ssyncset.done $0x0  }
0x291: {  	[sflag:s31] =	ssyncadd.s32 $0xFFFF3400  }
0x292: {  	s1 =	rddreg [dreg:$0xa]  }
0x293: {  	s0 =	rddreg [dreg:$0x9];
	s1 =	sadd.s32 $0x1, s1  }
0x294: {  	p0 =	sne.s32 s1, s0  }
.Ltmp3:
0x295: {  	_ = 	snop;
	(pc) =	sbr.rel @p0 .LBB2_1-.Ltmp3, $1  }
0x296: {  	_ =	sdelay $0x3  }
0x297: {  	_ =	sfence.sel $0x180000  }
0x298: {  	[bflag:$0x0] =	sbarrier.arrive $0xFFFF  }
0x299: {  	_ =	strace $0x90000047  }
0x29a: {  	s0 =	stileid.u32;
	[bflag:$0x2] =	sbarrier.arrive $0xFFFF  }
0x29b: {  	p0 =	sne.s32 s0, $0x0;
	s0 =	rddreg [dreg:$0x6]  }
0x29c: {  	s0 =	sadd.s32 @!p0 $0x100000, s0  }
0x29d: {  	[sflag:s0] =	ssyncadd.tile.s32 @!p0 $0x1;
	_ =	shalt  }
.Lfunc_end2:
_tile_overlayer_lowered:
.L_overlay_start_2:
0x29e: {  	(tag) =	ssettag $0x2  }
0x29f: {  	s0 =	rddreg [dreg:$0x0];
	s2 =	stileid.u32  }
0x2a0: {  	s1 =	rddreg [dreg:$0x1];
	p0 =	sne.s32 s2, $0x0  }
0x2a1: {  	s3 =	rddreg [dreg:$0x2];
	[bflag:$0x3] =	sbarrier.arrive $0xFFFF;
	s2 =	simm.s32 @!p0 $0x1C02  }
0x2a2: {  	[timem:s3], [sflag:s2] =	dma.local @!p0 [hbm:s0], s1  }
0x2a3: {  	s0 =	simm.s32 @!p0 $0x2  }
0x2a4: {  	_ =	swait.ge @!p0 [sflag:s0], s1  }
0x2a5: {  	s1 =	ssub.s32 @!p0 $0x0, s1;
	[sflag:s0] =	ssyncset.done @!p0 $0x0  }
0x2a6: {  	[sflag:s0] =	ssyncadd.s32 @!p0 s1  }
0x2a7: {  	[bflag:$0x3] =	sbarrier.arrive $0xFFFF  }
0x2a8: {  	_ =	shalt  }

</sc_bundles>
